<compile_context>
chip_gen: v7x
topology: tpu7x:2x2x1
jax: 0.10.2.dev20260603
libtpu: 0.0.44.dev20260713+nightly
codegen_flags: <defaults>
</compile_context>

<pallas_src>
import dataclasses
import functools

import jax
import jax.numpy as jnp
from jax import lax
from jax.experimental import pallas as pl
from jax.experimental.pallas import tpu as pltpu
from jax.experimental.pallas import tpu_sc as plsc

NC = 2
NS = 16
L = 16
NW = NC * NS
D = 128
DC = D // L
NBUF = 3


def _make_sc_scores(B, b_per_w, chunk):
    mesh = plsc.VectorSubcoreMesh(core_axis_name="c", subcore_axis_name="s")
    nchunks = b_per_w // chunk

    cp = pltpu.CompilerParams()
    if "needs_layout_passes" in pltpu.CompilerParams.__dataclass_fields__:
        cp = dataclasses.replace(cp, needs_layout_passes=False)

    nbuf = min(NBUF, nchunks)
    row_scratch = [pltpu.VMEM((chunk, D), jnp.float32) for _ in range(2 * nbuf)]
    sem_scratch = [pltpu.SemaphoreType.DMA for _ in range(2 * nbuf)]

    @functools.partial(
        pl.kernel,
        mesh=mesh,
        compiler_params=cp,
        out_type=jax.ShapeDtypeStruct((B,), jnp.float32),
        scratch_types=[
            pltpu.VMEM((b_per_w,), jnp.int32),
            pltpu.VMEM((b_per_w,), jnp.int32),
            pltpu.VMEM((b_per_w, L), jnp.float32),
            pltpu.VMEM((b_per_w,), jnp.float32),
            pltpu.VMEM((2 * D,), jnp.float32),
            pltpu.VMEM((1,), jnp.float32),
            pltpu.SemaphoreType.DMA,
            pltpu.SemaphoreType.DMA,
            pltpu.SemaphoreType.DMA,
            pltpu.SemaphoreType.DMA,
        ] + row_scratch + sem_scratch,
    )
    def sc_scores(uidx_hbm, sidx_hbm, ut_hbm, st_hbm, w_hbm, b_hbm, out_hbm,
                  uidx_v, sidx_v, part_v, out_v, w_v, b_v, sem_w, sem_b,
                  sem_iu, sem_is, *bufs_and_sems):
        u_bufs = bufs_and_sems[0:nbuf]
        s_bufs = bufs_and_sems[nbuf:2 * nbuf]
        sem_u = bufs_and_sems[2 * nbuf:3 * nbuf]
        sem_s = bufs_and_sems[3 * nbuf:4 * nbuf]

        wid = lax.axis_index("s") * NC + lax.axis_index("c")
        base = wid * b_per_w
        cw = pltpu.async_copy(w_hbm.at[0], w_v, sem_w)
        cb = pltpu.async_copy(b_hbm, b_v, sem_b)
        ciu = pltpu.async_copy(uidx_hbm.at[pl.ds(base, b_per_w)], uidx_v, sem_iu)
        cis = pltpu.async_copy(sidx_hbm.at[pl.ds(base, b_per_w)], sidx_v, sem_is)
        ciu.wait()
        cis.wait()

        def issue(c):
            b = c % nbuf
            cu = pltpu.async_copy(
                ut_hbm.at[uidx_v.at[pl.ds(c * chunk, chunk)]],
                u_bufs[b], sem_u[b])
            cs = pltpu.async_copy(
                st_hbm.at[sidx_v.at[pl.ds(c * chunk, chunk)]],
                s_bufs[b], sem_s[b])
            return cu, cs

        handles = [None] * nchunks
        for c in range(nbuf):
            handles[c] = issue(c)

        cw.wait()
        cb.wait()
        wv = [w_v[pl.ds(k * L, L)] for k in range(2 * DC)]
        bvec = plsc.load_gather(b_v, [jnp.full((L,), 0, jnp.int32)])
        for c in range(nchunks):
            cu, cs = handles[c]
            cu.wait()
            cs.wait()
            ub, sb = u_bufs[c % nbuf], s_bufs[c % nbuf]

            @pl.loop(0, chunk)
            def _(i, c=c, ub=ub, sb=sb):
                acc = ub[i, pl.ds(0, L)] * wv[0]
                for k in range(1, DC):
                    acc = acc + ub[i, pl.ds(k * L, L)] * wv[k]
                for k in range(DC):
                    acc = acc + sb[i, pl.ds(k * L, L)] * wv[DC + k]
                part_v[c * chunk + i, :] = acc

            if c + nbuf < nchunks:
                handles[c + nbuf] = issue(c + nbuf)

        @pl.loop(0, b_per_w, step=L)
        def _(i0):
            rows = i0 + lax.iota(jnp.int32, L)
            tot = plsc.load_gather(part_v, [rows, jnp.full((L,), 0, jnp.int32)])
            for j in range(1, L):
                tot = tot + plsc.load_gather(
                    part_v, [rows, jnp.full((L,), j, jnp.int32)])
            out_v[pl.ds(i0, L)] = tot + bvec

        pltpu.sync_copy(out_v, out_hbm.at[pl.ds(base, b_per_w)])

    return sc_scores


def kernel(user, skill, user_table, skill_table, fc_w, fc_b):
    B = user.shape[0]
    b_per_w = B // NW
    chunk = min(b_per_w, 64)
    uidx = user.astype(jnp.int32)
    sidx = skill.astype(jnp.int32)
    return _make_sc_scores(B, b_per_w, chunk)(
        uidx, sidx, user_table, skill_table, fc_w, fc_b)

# --- scband reference (transcript-rebuilt; emitter-appended) ---
"""Pipeline reference for scband-recommendation-model-40415642256022 (READ-ONLY COPY).

The authoritative reference and input builder live on the scoring server;
editing this copy changes nothing except your own understanding.
"""

import jax, jax.numpy as jnp
import numpy as np

NUM_USERS = 100000
NUM_SKILLS = 100000
EMBED_DIM = 128
BATCH = 16384

def setup_inputs(seed: int = 0) -> dict:
    key = jax.random.key(seed)
    k1, k2, k3, k4, k5, k6 = jax.random.split(key, 6)
    user = jax.random.randint(k1, (BATCH,), 0, NUM_USERS, dtype=jnp.int64 if jax.config.jax_enable_x64 else jnp.int32)
    skill = jax.random.randint(k2, (BATCH,), 0, NUM_SKILLS, dtype=jnp.int64 if jax.config.jax_enable_x64 else jnp.int32)
    user_table = jax.random.normal(k3, (NUM_USERS, EMBED_DIM), dtype=jnp.float32)
    skill_table = jax.random.normal(k4, (NUM_SKILLS, EMBED_DIM), dtype=jnp.float32)
    # nn.Linear(embedding_dim*2, 1): weight [1, 2*EMBED_DIM], bias [1]
    bound = 1.0 / np.sqrt(2 * EMBED_DIM)
    fc_w = jax.random.uniform(k5, (1, 2 * EMBED_DIM), minval=-bound, maxval=bound, dtype=jnp.float32)
    fc_b = jax.random.uniform(k6, (1,), minval=-bound, maxval=bound, dtype=jnp.float32)
    return {"user": user, "skill": skill, "user_table": user_table, "skill_table": skill_table, "fc_w": fc_w, "fc_b": fc_b}

def reference(user, skill, user_table, skill_table, fc_w, fc_b):
    user_embed = jnp.take(user_table, user, axis=0)       # [B, D]
    skill_embed = jnp.take(skill_table, skill, axis=0)    # [B, D]
    combined = jnp.concatenate([user_embed, skill_embed], axis=1)  # [B, 2D]
    out = combined @ fc_w.T + fc_b                         # [B, 1]
    return jnp.squeeze(out, axis=-1)                       # [B]

if __name__ == "__main__":
    import jax
    _d = setup_inputs()
    print(jax.jit(kernel)(*tuple(_d.values())))

</pallas_src>

<mosaic_0001>
#map = affine_map<(d0, d1) -> (0)>
#map1 = affine_map<(d0, d1) -> (0, 0)>
module attributes {stable_mosaic.version = 14 : i64} {
  func.func @sc_scores(%arg0: i32, %arg1: i32, %arg2: memref<16384xi32, #tpu.memory_space<hbm>>, %arg3: memref<16384xi32, #tpu.memory_space<hbm>>, %arg4: memref<100000x128xf32, #tpu.memory_space<hbm>>, %arg5: memref<100000x128xf32, #tpu.memory_space<hbm>>, %arg6: memref<1x256xf32, #tpu.memory_space<hbm>>, %arg7: memref<1xf32, #tpu.memory_space<hbm>>, %arg8: memref<16384xf32, #tpu.memory_space<hbm>>, %arg9: memref<512xi32, #tpu.memory_space<vmem>>, %arg10: memref<512xi32, #tpu.memory_space<vmem>>, %arg11: memref<512x16xf32, #tpu.memory_space<vmem>>, %arg12: memref<512xf32, #tpu.memory_space<vmem>>, %arg13: memref<256xf32, #tpu.memory_space<vmem>>, %arg14: memref<1xf32, #tpu.memory_space<vmem>>, %arg15: memref<!tpu.dma_semaphore, #tpu.memory_space<semaphore_mem>>, %arg16: memref<!tpu.dma_semaphore, #tpu.memory_space<semaphore_mem>>, %arg17: memref<!tpu.dma_semaphore, #tpu.memory_space<semaphore_mem>>, %arg18: memref<!tpu.dma_semaphore, #tpu.memory_space<semaphore_mem>>, %arg19: memref<64x128xf32, #tpu.memory_space<vmem>>, %arg20: memref<64x128xf32, #tpu.memory_space<vmem>>, %arg21: memref<64x128xf32, #tpu.memory_space<vmem>>, %arg22: memref<64x128xf32, #tpu.memory_space<vmem>>, %arg23: memref<64x128xf32, #tpu.memory_space<vmem>>, %arg24: memref<64x128xf32, #tpu.memory_space<vmem>>, %arg25: memref<!tpu.dma_semaphore, #tpu.memory_space<semaphore_mem>>, %arg26: memref<!tpu.dma_semaphore, #tpu.memory_space<semaphore_mem>>, %arg27: memref<!tpu.dma_semaphore, #tpu.memory_space<semaphore_mem>>, %arg28: memref<!tpu.dma_semaphore, #tpu.memory_space<semaphore_mem>>, %arg29: memref<!tpu.dma_semaphore, #tpu.memory_space<semaphore_mem>>, %arg30: memref<!tpu.dma_semaphore, #tpu.memory_space<semaphore_mem>>) attributes {dimension_semantics = [#tpu.dimension_semantics<core_parallel>, #tpu.dimension_semantics<subcore_parallel>], iteration_bounds = array<i64: 2, 16>, scalar_prefetch = 0 : i64, scratch_operands = 22 : i64, tpu.core_type = #tpu.core_type<sc_vector_subcore>, window_params = [{transform_indices = #map}, {transform_indices = #map}, {transform_indices = #map1}, {transform_indices = #map1}, {transform_indices = #map1}, {transform_indices = #map}, {transform_indices = #map}]} {
    %mul3A = arith.constant 2 : i32
    %mul3A_0 = arith.muli %arg1, %mul3A : i32
    %add3A = arith.addi %mul3A_0, %arg0 : i32
    %mul3A_1 = arith.constant 512 : i32
    %mul3A_2 = arith.muli %add3A, %mul3A_1 : i32
    %dma_start3A = arith.constant 0 : i32
    %dma_start3A_3 = arith.constant 0 : i32
    %dma_start3A_4 = tpu.memref_slice %arg6[%dma_start3A, %dma_start3A_3] : memref<1x256xf32, #tpu.memory_space<hbm>> -> memref<1x256xf32, #tpu.memory_space<hbm>>
    %dma_start3A_5 = tpu.memref_squeeze %dma_start3A_4 : memref<1x256xf32, #tpu.memory_space<hbm>> -> memref<256xf32, #tpu.memory_space<hbm>>
    %dma_start3A_6 = arith.constant 0 : i32
    %dma_start3A_7 = tpu.memref_slice %arg6[%dma_start3A, %dma_start3A_6] : memref<1x256xf32, #tpu.memory_space<hbm>> -> memref<1x256xf32, #tpu.memory_space<hbm>>
    %dma_start3A_8 = tpu.memref_squeeze %dma_start3A_7 : memref<1x256xf32, #tpu.memory_space<hbm>> -> memref<256xf32, #tpu.memory_space<hbm>>
    tpu.enqueue_dma source(%dma_start3A_8 : memref<256xf32, #tpu.memory_space<hbm>>) target(%arg13 : memref<256xf32, #tpu.memory_space<vmem>>) target_semaphore(%arg15 : memref<!tpu.dma_semaphore, #tpu.memory_space<semaphore_mem>>)
    tpu.enqueue_dma source(%arg7 : memref<1xf32, #tpu.memory_space<hbm>>) target(%arg14 : memref<1xf32, #tpu.memory_space<vmem>>) target_semaphore(%arg16 : memref<!tpu.dma_semaphore, #tpu.memory_space<semaphore_mem>>)
    %dma_start3A_9 = tpu.memref_slice %arg2[%mul3A_2] : memref<16384xi32, #tpu.memory_space<hbm>> -> memref<512xi32, #tpu.memory_space<hbm>>
    %dma_start3A_10 = tpu.memref_slice %arg2[%mul3A_2] : memref<16384xi32, #tpu.memory_space<hbm>> -> memref<512xi32, #tpu.memory_space<hbm>>
    tpu.enqueue_dma source(%dma_start3A_10 : memref<512xi32, #tpu.memory_space<hbm>>) target(%arg9 : memref<512xi32, #tpu.memory_space<vmem>>) target_semaphore(%arg17 : memref<!tpu.dma_semaphore, #tpu.memory_space<semaphore_mem>>)
    %dma_start3A_11 = tpu.memref_slice %arg3[%mul3A_2] : memref<16384xi32, #tpu.memory_space<hbm>> -> memref<512xi32, #tpu.memory_space<hbm>>
    %dma_start3A_12 = tpu.memref_slice %arg3[%mul3A_2] : memref<16384xi32, #tpu.memory_space<hbm>> -> memref<512xi32, #tpu.memory_space<hbm>>
    tpu.enqueue_dma source(%dma_start3A_12 : memref<512xi32, #tpu.memory_space<hbm>>) target(%arg10 : memref<512xi32, #tpu.memory_space<vmem>>) target_semaphore(%arg18 : memref<!tpu.dma_semaphore, #tpu.memory_space<semaphore_mem>>)
    %dma_wait3A = tpu.memref_slice %arg2[%mul3A_2] : memref<16384xi32, #tpu.memory_space<hbm>> -> memref<512xi32, #tpu.memory_space<hbm>>
    %dma_wait3A_13 = tpu.memref_slice %arg2[%mul3A_2] : memref<16384xi32, #tpu.memory_space<hbm>> -> memref<512xi32, #tpu.memory_space<hbm>>
    tpu.wait_dma2 semaphore(%arg17 : memref<!tpu.dma_semaphore, #tpu.memory_space<semaphore_mem>>) src(%dma_wait3A_13 : memref<512xi32, #tpu.memory_space<hbm>>) dst(%arg9 : memref<512xi32, #tpu.memory_space<vmem>>)
    %dma_wait3A_14 = tpu.memref_slice %arg3[%mul3A_2] : memref<16384xi32, #tpu.memory_space<hbm>> -> memref<512xi32, #tpu.memory_space<hbm>>
    %dma_wait3A_15 = tpu.memref_slice %arg3[%mul3A_2] : memref<16384xi32, #tpu.memory_space<hbm>> -> memref<512xi32, #tpu.memory_space<hbm>>
    tpu.wait_dma2 semaphore(%arg18 : memref<!tpu.dma_semaphore, #tpu.memory_space<semaphore_mem>>) src(%dma_wait3A_15 : memref<512xi32, #tpu.memory_space<hbm>>) dst(%arg10 : memref<512xi32, #tpu.memory_space<vmem>>)
    %dma_start3A_16 = arith.constant 0 : i32
    %dma_start3A_17 = tpu.memref_slice %arg9[%dma_start3A_16] : memref<512xi32, #tpu.memory_space<vmem>> -> memref<64xi32, #tpu.memory_space<vmem>>
    %dma_start3A_18 = arith.constant 0 : i32
    %dma_start3A_19 = arith.constant 0 : i32
    %dma_start3A_20 = tpu.memref_slice %arg4[%dma_start3A_18, %dma_start3A_19] : memref<100000x128xf32, #tpu.memory_space<hbm>> -> memref<100000x128xf32, #tpu.memory_space<hbm>>
    tpu.enqueue_indirect_dma source(%dma_start3A_20 : memref<100000x128xf32, #tpu.memory_space<hbm>>) target(%arg19 : memref<64x128xf32, #tpu.memory_space<vmem>>) offsets(%dma_start3A_17 : memref<64xi32, #tpu.memory_space<vmem>>) semaphore(%arg25 : memref<!tpu.dma_semaphore, #tpu.memory_space<semaphore_mem>>)
    %dma_start3A_21 = arith.constant 0 : i32
    %dma_start3A_22 = tpu.memref_slice %arg10[%dma_start3A_21] : memref<512xi32, #tpu.memory_space<vmem>> -> memref<64xi32, #tpu.memory_space<vmem>>
    %dma_start3A_23 = arith.constant 0 : i32
    %dma_start3A_24 = arith.constant 0 : i32
    %dma_start3A_25 = tpu.memref_slice %arg5[%dma_start3A_23, %dma_start3A_24] : memref<100000x128xf32, #tpu.memory_space<hbm>> -> memref<100000x128xf32, #tpu.memory_space<hbm>>
    tpu.enqueue_indirect_dma source(%dma_start3A_25 : memref<100000x128xf32, #tpu.memory_space<hbm>>) target(%arg22 : memref<64x128xf32, #tpu.memory_space<vmem>>) offsets(%dma_start3A_22 : memref<64xi32, #tpu.memory_space<vmem>>) semaphore(%arg28 : memref<!tpu.dma_semaphore, #tpu.memory_space<semaphore_mem>>)
    %dma_start3A_26 = arith.constant 64 : i32
    %dma_start3A_27 = tpu.memref_slice %arg9[%dma_start3A_26] : memref<512xi32, #tpu.memory_space<vmem>> -> memref<64xi32, #tpu.memory_space<vmem>>
    %dma_start3A_28 = arith.constant 0 : i32
    %dma_start3A_29 = arith.constant 0 : i32
    %dma_start3A_30 = tpu.memref_slice %arg4[%dma_start3A_28, %dma_start3A_29] : memref<100000x128xf32, #tpu.memory_space<hbm>> -> memref<100000x128xf32, #tpu.memory_space<hbm>>
    tpu.enqueue_indirect_dma source(%dma_start3A_30 : memref<100000x128xf32, #tpu.memory_space<hbm>>) target(%arg20 : memref<64x128xf32, #tpu.memory_space<vmem>>) offsets(%dma_start3A_27 : memref<64xi32, #tpu.memory_space<vmem>>) semaphore(%arg26 : memref<!tpu.dma_semaphore, #tpu.memory_space<semaphore_mem>>)
    %dma_start3A_31 = arith.constant 64 : i32
    %dma_start3A_32 = tpu.memref_slice %arg10[%dma_start3A_31] : memref<512xi32, #tpu.memory_space<vmem>> -> memref<64xi32, #tpu.memory_space<vmem>>
    %dma_start3A_33 = arith.constant 0 : i32
    %dma_start3A_34 = arith.constant 0 : i32
    %dma_start3A_35 = tpu.memref_slice %arg5[%dma_start3A_33, %dma_start3A_34] : memref<100000x128xf32, #tpu.memory_space<hbm>> -> memref<100000x128xf32, #tpu.memory_space<hbm>>
    tpu.enqueue_indirect_dma source(%dma_start3A_35 : memref<100000x128xf32, #tpu.memory_space<hbm>>) target(%arg23 : memref<64x128xf32, #tpu.memory_space<vmem>>) offsets(%dma_start3A_32 : memref<64xi32, #tpu.memory_space<vmem>>) semaphore(%arg29 : memref<!tpu.dma_semaphore, #tpu.memory_space<semaphore_mem>>)
    %dma_start3A_36 = arith.constant 128 : i32
    %dma_start3A_37 = tpu.memref_slice %arg9[%dma_start3A_36] : memref<512xi32, #tpu.memory_space<vmem>> -> memref<64xi32, #tpu.memory_space<vmem>>
    %dma_start3A_38 = arith.constant 0 : i32
    %dma_start3A_39 = arith.constant 0 : i32
    %dma_start3A_40 = tpu.memref_slice %arg4[%dma_start3A_38, %dma_start3A_39] : memref<100000x128xf32, #tpu.memory_space<hbm>> -> memref<100000x128xf32, #tpu.memory_space<hbm>>
    tpu.enqueue_indirect_dma source(%dma_start3A_40 : memref<100000x128xf32, #tpu.memory_space<hbm>>) target(%arg21 : memref<64x128xf32, #tpu.memory_space<vmem>>) offsets(%dma_start3A_37 : memref<64xi32, #tpu.memory_space<vmem>>) semaphore(%arg27 : memref<!tpu.dma_semaphore, #tpu.memory_space<semaphore_mem>>)
    %dma_start3A_41 = arith.constant 128 : i32
    %dma_start3A_42 = tpu.memref_slice %arg10[%dma_start3A_41] : memref<512xi32, #tpu.memory_space<vmem>> -> memref<64xi32, #tpu.memory_space<vmem>>
    %dma_start3A_43 = arith.constant 0 : i32
    %dma_start3A_44 = arith.constant 0 : i32
    %dma_start3A_45 = tpu.memref_slice %arg5[%dma_start3A_43, %dma_start3A_44] : memref<100000x128xf32, #tpu.memory_space<hbm>> -> memref<100000x128xf32, #tpu.memory_space<hbm>>
    tpu.enqueue_indirect_dma source(%dma_start3A_45 : memref<100000x128xf32, #tpu.memory_space<hbm>>) target(%arg24 : memref<64x128xf32, #tpu.memory_space<vmem>>) offsets(%dma_start3A_42 : memref<64xi32, #tpu.memory_space<vmem>>) semaphore(%arg30 : memref<!tpu.dma_semaphore, #tpu.memory_space<semaphore_mem>>)
    %dma_wait3A_46 = arith.constant 0 : i32
    %dma_wait3A_47 = arith.constant 0 : i32
    %dma_wait3A_48 = tpu.memref_slice %arg6[%dma_wait3A_46, %dma_wait3A_47] : memref<1x256xf32, #tpu.memory_space<hbm>> -> memref<1x256xf32, #tpu.memory_space<hbm>>
    %dma_wait3A_49 = tpu.memref_squeeze %dma_wait3A_48 : memref<1x256xf32, #tpu.memory_space<hbm>> -> memref<256xf32, #tpu.memory_space<hbm>>
    %dma_wait3A_50 = arith.constant 0 : i32
    %dma_wait3A_51 = tpu.memref_slice %arg6[%dma_wait3A_46, %dma_wait3A_50] : memref<1x256xf32, #tpu.memory_space<hbm>> -> memref<1x256xf32, #tpu.memory_space<hbm>>
    %dma_wait3A_52 = tpu.memref_squeeze %dma_wait3A_51 : memref<1x256xf32, #tpu.memory_space<hbm>> -> memref<256xf32, #tpu.memory_space<hbm>>
    tpu.wait_dma2 semaphore(%arg15 : memref<!tpu.dma_semaphore, #tpu.memory_space<semaphore_mem>>) src(%dma_wait3A_52 : memref<256xf32, #tpu.memory_space<hbm>>) dst(%arg13 : memref<256xf32, #tpu.memory_space<vmem>>)
    tpu.wait_dma2 semaphore(%arg16 : memref<!tpu.dma_semaphore, #tpu.memory_space<semaphore_mem>>) src(%arg7 : memref<1xf32, #tpu.memory_space<hbm>>) dst(%arg14 : memref<1xf32, #tpu.memory_space<vmem>>)
    %get3A = arith.constant 0 : index
    %get3A_53 = tpu.vector_load %arg13[%get3A] {strides = array<i32>} : memref<256xf32, #tpu.memory_space<vmem>>, vector<16xf32>,
    %get3A_54 = arith.constant 16 : index
    %get3A_55 = tpu.vector_load %arg13[%get3A_54] {strides = array<i32>} : memref<256xf32, #tpu.memory_space<vmem>>, vector<16xf32>,
    %get3A_56 = arith.constant 32 : index
    %get3A_57 = tpu.vector_load %arg13[%get3A_56] {strides = array<i32>} : memref<256xf32, #tpu.memory_space<vmem>>, vector<16xf32>,
    %get3A_58 = arith.constant 48 : index
    %get3A_59 = tpu.vector_load %arg13[%get3A_58] {strides = array<i32>} : memref<256xf32, #tpu.memory_space<vmem>>, vector<16xf32>,
    %get3A_60 = arith.constant 64 : index
    %get3A_61 = tpu.vector_load %arg13[%get3A_60] {strides = array<i32>} : memref<256xf32, #tpu.memory_space<vmem>>, vector<16xf32>,
    %get3A_62 = arith.constant 80 : index
    %get3A_63 = tpu.vector_load %arg13[%get3A_62] {strides = array<i32>} : memref<256xf32, #tpu.memory_space<vmem>>, vector<16xf32>,
    %get3A_64 = arith.constant 96 : index
    %get3A_65 = tpu.vector_load %arg13[%get3A_64] {strides = array<i32>} : memref<256xf32, #tpu.memory_space<vmem>>, vector<16xf32>,
    %get3A_66 = arith.constant 112 : index
    %get3A_67 = tpu.vector_load %arg13[%get3A_66] {strides = array<i32>} : memref<256xf32, #tpu.memory_space<vmem>>, vector<16xf32>,
    %get3A_68 = arith.constant 128 : index
    %get3A_69 = tpu.vector_load %arg13[%get3A_68] {strides = array<i32>} : memref<256xf32, #tpu.memory_space<vmem>>, vector<16xf32>,
    %get3A_70 = arith.constant 144 : index
    %get3A_71 = tpu.vector_load %arg13[%get3A_70] {strides = array<i32>} : memref<256xf32, #tpu.memory_space<vmem>>, vector<16xf32>,
    %get3A_72 = arith.constant 160 : index
    %get3A_73 = tpu.vector_load %arg13[%get3A_72] {strides = array<i32>} : memref<256xf32, #tpu.memory_space<vmem>>, vector<16xf32>,
    %get3A_74 = arith.constant 176 : index
    %get3A_75 = tpu.vector_load %arg13[%get3A_74] {strides = array<i32>} : memref<256xf32, #tpu.memory_space<vmem>>, vector<16xf32>,
    %get3A_76 = arith.constant 192 : index
    %get3A_77 = tpu.vector_load %arg13[%get3A_76] {strides = array<i32>} : memref<256xf32, #tpu.memory_space<vmem>>, vector<16xf32>,
    %get3A_78 = arith.constant 208 : index
    %get3A_79 = tpu.vector_load %arg13[%get3A_78] {strides = array<i32>} : memref<256xf32, #tpu.memory_space<vmem>>, vector<16xf32>,
    %get3A_80 = arith.constant 224 : index
    %get3A_81 = tpu.vector_load %arg13[%get3A_80] {strides = array<i32>} : memref<256xf32, #tpu.memory_space<vmem>>, vector<16xf32>,
    %get3A_82 = arith.constant 240 : index
    %get3A_83 = tpu.vector_load %arg13[%get3A_82] {strides = array<i32>} : memref<256xf32, #tpu.memory_space<vmem>>, vector<16xf32>,
    %broadcast_in_dim3A = arith.constant 0 : i32
    %broadcast_in_dim3A_84 = vector.broadcast %broadcast_in_dim3A : i32 to vector<16xi32>
    %gather3A = tpu.vector_load_idx %arg14[%broadcast_in_dim3A_84] : memref<1xf32, #tpu.memory_space<vmem>>[vector<16xi32>], vector<16xf32>,
    %dma_wait3A_85 = arith.constant 0 : i32
    %dma_wait3A_86 = tpu.memref_slice %arg9[%dma_wait3A_85] : memref<512xi32, #tpu.memory_space<vmem>> -> memref<64xi32, #tpu.memory_space<vmem>>
    %dma_wait3A_87 = arith.constant 0 : i32
    %dma_wait3A_88 = arith.constant 0 : i32
    %dma_wait3A_89 = tpu.memref_slice %arg4[%dma_wait3A_87, %dma_wait3A_88] : memref<100000x128xf32, #tpu.memory_space<hbm>> -> memref<100000x128xf32, #tpu.memory_space<hbm>>
    tpu.wait_indirect_dma semaphore(%arg25 : memref<!tpu.dma_semaphore, #tpu.memory_space<semaphore_mem>>) src(%dma_wait3A_89 : memref<100000x128xf32, #tpu.memory_space<hbm>>) dst(%arg19 : memref<64x128xf32, #tpu.memory_space<vmem>>)
    %dma_wait3A_90 = arith.constant 0 : i32
    %dma_wait3A_91 = tpu.memref_slice %arg10[%dma_wait3A_90] : memref<512xi32, #tpu.memory_space<vmem>> -> memref<64xi32, #tpu.memory_space<vmem>>
    %dma_wait3A_92 = arith.constant 0 : i32
    %dma_wait3A_93 = arith.constant 0 : i32
    %dma_wait3A_94 = tpu.memref_slice %arg5[%dma_wait3A_92, %dma_wait3A_93] : memref<100000x128xf32, #tpu.memory_space<hbm>> -> memref<100000x128xf32, #tpu.memory_space<hbm>>
    tpu.wait_indirect_dma semaphore(%arg28 : memref<!tpu.dma_semaphore, #tpu.memory_space<semaphore_mem>>) src(%dma_wait3A_94 : memref<100000x128xf32, #tpu.memory_space<hbm>>) dst(%arg22 : memref<64x128xf32, #tpu.memory_space<vmem>>)
    %scan3A = arith.constant 0 : i32
    %scan3A_95 = arith.constant 64 : i32
    %scan3A_96 = arith.addi %scan3A, %scan3A_95 : i32
    %scan3A_97 = arith.constant 1 : i32
    scf.for %scan3A_259 = %scan3A to %scan3A_96 step %scan3A_97  : i32 {
      %mul3A_260 = arith.constant 1 : i32
      %mul3A_261 = arith.muli %scan3A_259, %mul3A_260 : i32
      %add3A_262 = arith.constant 0 : i32
      %add3A_263 = arith.addi %add3A_262, %mul3A_261 : i32
      %get3A_264 = arith.index_cast %add3A_263 : i32 to index
      %get3A_265 = arith.constant 0 : index
      %get3A_266 = tpu.vector_load %arg19[%get3A_264, %get3A_265] {strides = array<i32>} : memref<64x128xf32, #tpu.memory_space<vmem>>, vector<16xf32>,
      %mul3A_267 = arith.mulf %get3A_266, %get3A_53 : vector<16xf32>
      %get3A_268 = arith.index_cast %add3A_263 : i32 to index
      %get3A_269 = arith.constant 16 : index
      %get3A_270 = tpu.vector_load %arg19[%get3A_268, %get3A_269] {strides = array<i32>} : memref<64x128xf32, #tpu.memory_space<vmem>>, vector<16xf32>,
      %mul3A_271 = arith.mulf %get3A_270, %get3A_55 : vector<16xf32>
      %add3A_272 = arith.addf %mul3A_267, %mul3A_271 : vector<16xf32>
      %get3A_273 = arith.index_cast %add3A_263 : i32 to index
      %get3A_274 = arith.constant 32 : index
      %get3A_275 = tpu.vector_load %arg19[%get3A_273, %get3A_274] {strides = array<i32>} : memref<64x128xf32, #tpu.memory_space<vmem>>, vector<16xf32>,
      %mul3A_276 = arith.mulf %get3A_275, %get3A_57 : vector<16xf32>
      %add3A_277 = arith.addf %add3A_272, %mul3A_276 : vector<16xf32>
      %get3A_278 = arith.index_cast %add3A_263 : i32 to index
      %get3A_279 = arith.constant 48 : index
      %get3A_280 = tpu.vector_load %arg19[%get3A_278, %get3A_279] {strides = array<i32>} : memref<64x128xf32, #tpu.memory_space<vmem>>, vector<16xf32>,
      %mul3A_281 = arith.mulf %get3A_280, %get3A_59 : vector<16xf32>
      %add3A_282 = arith.addf %add3A_277, %mul3A_281 : vector<16xf32>
      %get3A_283 = arith.index_cast %add3A_263 : i32 to index
      %get3A_284 = arith.constant 64 : index
      %get3A_285 = tpu.vector_load %arg19[%get3A_283, %get3A_284] {strides = array<i32>} : memref<64x128xf32, #tpu.memory_space<vmem>>, vector<16xf32>,
      %mul3A_286 = arith.mulf %get3A_285, %get3A_61 : vector<16xf32>
      %add3A_287 = arith.addf %add3A_282, %mul3A_286 : vector<16xf32>
      %get3A_288 = arith.index_cast %add3A_263 : i32 to index
      %get3A_289 = arith.constant 80 : index
      %get3A_290 = tpu.vector_load %arg19[%get3A_288, %get3A_289] {strides = array<i32>} : memref<64x128xf32, #tpu.memory_space<vmem>>, vector<16xf32>,
      %mul3A_291 = arith.mulf %get3A_290, %get3A_63 : vector<16xf32>
      %add3A_292 = arith.addf %add3A_287, %mul3A_291 : vector<16xf32>
      %get3A_293 = arith.index_cast %add3A_263 : i32 to index
      %get3A_294 = arith.constant 96 : index
      %get3A_295 = tpu.vector_load %arg19[%get3A_293, %get3A_294] {strides = array<i32>} : memref<64x128xf32, #tpu.memory_space<vmem>>, vector<16xf32>,
      %mul3A_296 = arith.mulf %get3A_295, %get3A_65 : vector<16xf32>
      %add3A_297 = arith.addf %add3A_292, %mul3A_296 : vector<16xf32>
      %get3A_298 = arith.index_cast %add3A_263 : i32 to index
      %get3A_299 = arith.constant 112 : index
      %get3A_300 = tpu.vector_load %arg19[%get3A_298, %get3A_299] {strides = array<i32>} : memref<64x128xf32, #tpu.memory_space<vmem>>, vector<16xf32>,
      %mul3A_301 = arith.mulf %get3A_300, %get3A_67 : vector<16xf32>
      %add3A_302 = arith.addf %add3A_297, %mul3A_301 : vector<16xf32>
      %get3A_303 = arith.index_cast %add3A_263 : i32 to index
      %get3A_304 = arith.constant 0 : index
      %get3A_305 = tpu.vector_load %arg22[%get3A_303, %get3A_304] {strides = array<i32>} : memref<64x128xf32, #tpu.memory_space<vmem>>, vector<16xf32>,
      %mul3A_306 = arith.mulf %get3A_305, %get3A_69 : vector<16xf32>
      %add3A_307 = arith.addf %add3A_302, %mul3A_306 : vector<16xf32>
      %get3A_308 = arith.index_cast %add3A_263 : i32 to index
      %get3A_309 = arith.constant 16 : index
      %get3A_310 = tpu.vector_load %arg22[%get3A_308, %get3A_309] {strides = array<i32>} : memref<64x128xf32, #tpu.memory_space<vmem>>, vector<16xf32>,
      %mul3A_311 = arith.mulf %get3A_310, %get3A_71 : vector<16xf32>
      %add3A_312 = arith.addf %add3A_307, %mul3A_311 : vector<16xf32>
      %get3A_313 = arith.index_cast %add3A_263 : i32 to index
      %get3A_314 = arith.constant 32 : index
      %get3A_315 = tpu.vector_load %arg22[%get3A_313, %get3A_314] {strides = array<i32>} : memref<64x128xf32, #tpu.memory_space<vmem>>, vector<16xf32>,
      %mul3A_316 = arith.mulf %get3A_315, %get3A_73 : vector<16xf32>
      %add3A_317 = arith.addf %add3A_312, %mul3A_316 : vector<16xf32>
      %get3A_318 = arith.index_cast %add3A_263 : i32 to index
      %get3A_319 = arith.constant 48 : index
      %get3A_320 = tpu.vector_load %arg22[%get3A_318, %get3A_319] {strides = array<i32>} : memref<64x128xf32, #tpu.memory_space<vmem>>, vector<16xf32>,
      %mul3A_321 = arith.mulf %get3A_320, %get3A_75 : vector<16xf32>
      %add3A_322 = arith.addf %add3A_317, %mul3A_321 : vector<16xf32>
      %get3A_323 = arith.index_cast %add3A_263 : i32 to index
      %get3A_324 = arith.constant 64 : index
      %get3A_325 = tpu.vector_load %arg22[%get3A_323, %get3A_324] {strides = array<i32>} : memref<64x128xf32, #tpu.memory_space<vmem>>, vector<16xf32>,
      %mul3A_326 = arith.mulf %get3A_325, %get3A_77 : vector<16xf32>
      %add3A_327 = arith.addf %add3A_322, %mul3A_326 : vector<16xf32>
      %get3A_328 = arith.index_cast %add3A_263 : i32 to index
      %get3A_329 = arith.constant 80 : index
      %get3A_330 = tpu.vector_load %arg22[%get3A_328, %get3A_329] {strides = array<i32>} : memref<64x128xf32, #tpu.memory_space<vmem>>, vector<16xf32>,
      %mul3A_331 = arith.mulf %get3A_330, %get3A_79 : vector<16xf32>
      %add3A_332 = arith.addf %add3A_327, %mul3A_331 : vector<16xf32>
      %get3A_333 = arith.index_cast %add3A_263 : i32 to index
      %get3A_334 = arith.constant 96 : index
      %get3A_335 = tpu.vector_load %arg22[%get3A_333, %get3A_334] {strides = array<i32>} : memref<64x128xf32, #tpu.memory_space<vmem>>, vector<16xf32>,
      %mul3A_336 = arith.mulf %get3A_335, %get3A_81 : vector<16xf32>
      %add3A_337 = arith.addf %add3A_332, %mul3A_336 : vector<16xf32>
      %get3A_338 = arith.index_cast %add3A_263 : i32 to index
      %get3A_339 = arith.constant 112 : index
      %get3A_340 = tpu.vector_load %arg22[%get3A_338, %get3A_339] {strides = array<i32>} : memref<64x128xf32, #tpu.memory_space<vmem>>, vector<16xf32>,
      %mul3A_341 = arith.mulf %get3A_340, %get3A_83 : vector<16xf32>
      %add3A_342 = arith.addf %add3A_337, %mul3A_341 : vector<16xf32>
      %add3A_343 = arith.constant 0 : i32
      %add3A_344 = arith.addi %add3A_343, %add3A_263 : i32
      %swap3A = arith.index_cast %add3A_344 : i32 to index
      %swap3A_345 = arith.constant 0 : index
      %swap3A_346 = tpu.vector_load %arg11[%swap3A, %swap3A_345] {strides = array<i32>} : memref<512x16xf32, #tpu.memory_space<vmem>>, vector<16xf32>,
      tpu.vector_store %arg11[%swap3A, %swap3A_345], %add3A_342 {strides = array<i32>} : memref<512x16xf32, #tpu.memory_space<vmem>>, vector<16xf32>,
    }
    %scan3A_98 = arith.constant 64 : i32
    %dma_start3A_99 = arith.constant 192 : i32
    %dma_start3A_100 = tpu.memref_slice %arg9[%dma_start3A_99] : memref<512xi32, #tpu.memory_space<vmem>> -> memref<64xi32, #tpu.memory_space<vmem>>
    %dma_start3A_101 = arith.constant 0 : i32
    %dma_start3A_102 = arith.constant 0 : i32
    %dma_start3A_103 = tpu.memref_slice %arg4[%dma_start3A_101, %dma_start3A_102] : memref<100000x128xf32, #tpu.memory_space<hbm>> -> memref<100000x128xf32, #tpu.memory_space<hbm>>
    tpu.enqueue_indirect_dma source(%dma_start3A_103 : memref<100000x128xf32, #tpu.memory_space<hbm>>) target(%arg19 : memref<64x128xf32, #tpu.memory_space<vmem>>) offsets(%dma_start3A_100 : memref<64xi32, #tpu.memory_space<vmem>>) semaphore(%arg25 : memref<!tpu.dma_semaphore, #tpu.memory_space<semaphore_mem>>)
    %dma_start3A_104 = arith.constant 192 : i32
    %dma_start3A_105 = tpu.memref_slice %arg10[%dma_start3A_104] : memref<512xi32, #tpu.memory_space<vmem>> -> memref<64xi32, #tpu.memory_space<vmem>>
    %dma_start3A_106 = arith.constant 0 : i32
    %dma_start3A_107 = arith.constant 0 : i32
    %dma_start3A_108 = tpu.memref_slice %arg5[%dma_start3A_106, %dma_start3A_107] : memref<100000x128xf32, #tpu.memory_space<hbm>> -> memref<100000x128xf32, #tpu.memory_space<hbm>>
    tpu.enqueue_indirect_dma source(%dma_start3A_108 : memref<100000x128xf32, #tpu.memory_space<hbm>>) target(%arg22 : memref<64x128xf32, #tpu.memory_space<vmem>>) offsets(%dma_start3A_105 : memref<64xi32, #tpu.memory_space<vmem>>) semaphore(%arg28 : memref<!tpu.dma_semaphore, #tpu.memory_space<semaphore_mem>>)
    %dma_wait3A_109 = arith.constant 64 : i32
    %dma_wait3A_110 = tpu.memref_slice %arg9[%dma_wait3A_109] : memref<512xi32, #tpu.memory_space<vmem>> -> memref<64xi32, #tpu.memory_space<vmem>>
    %dma_wait3A_111 = arith.constant 0 : i32
    %dma_wait3A_112 = arith.constant 0 : i32
    %dma_wait3A_113 = tpu.memref_slice %arg4[%dma_wait3A_111, %dma_wait3A_112] : memref<100000x128xf32, #tpu.memory_space<hbm>> -> memref<100000x128xf32, #tpu.memory_space<hbm>>
    tpu.wait_indirect_dma semaphore(%arg26 : memref<!tpu.dma_semaphore, #tpu.memory_space<semaphore_mem>>) src(%dma_wait3A_113 : memref<100000x128xf32, #tpu.memory_space<hbm>>) dst(%arg20 : memref<64x128xf32, #tpu.memory_space<vmem>>)
    %dma_wait3A_114 = arith.constant 64 : i32
    %dma_wait3A_115 = tpu.memref_slice %arg10[%dma_wait3A_114] : memref<512xi32, #tpu.memory_space<vmem>> -> memref<64xi32, #tpu.memory_space<vmem>>
    %dma_wait3A_116 = arith.constant 0 : i32
    %dma_wait3A_117 = arith.constant 0 : i32
    %dma_wait3A_118 = tpu.memref_slice %arg5[%dma_wait3A_116, %dma_wait3A_117] : memref<100000x128xf32, #tpu.memory_space<hbm>> -> memref<100000x128xf32, #tpu.memory_space<hbm>>
    tpu.wait_indirect_dma semaphore(%arg29 : memref<!tpu.dma_semaphore, #tpu.memory_space<semaphore_mem>>) src(%dma_wait3A_118 : memref<100000x128xf32, #tpu.memory_space<hbm>>) dst(%arg23 : memref<64x128xf32, #tpu.memory_space<vmem>>)
    %scan3A_119 = arith.constant 0 : i32
    %scan3A_120 = arith.constant 64 : i32
    %scan3A_121 = arith.addi %scan3A_119, %scan3A_120 : i32
    %scan3A_122 = arith.constant 1 : i32
    scf.for %scan3A_259 = %scan3A_119 to %scan3A_121 step %scan3A_122  : i32 {
      %mul3A_260 = arith.constant 1 : i32
      %mul3A_261 = arith.muli %scan3A_259, %mul3A_260 : i32
      %add3A_262 = arith.constant 0 : i32
      %add3A_263 = arith.addi %add3A_262, %mul3A_261 : i32
      %get3A_264 = arith.index_cast %add3A_263 : i32 to index
      %get3A_265 = arith.constant 0 : index
      %get3A_266 = tpu.vector_load %arg20[%get3A_264, %get3A_265] {strides = array<i32>} : memref<64x128xf32, #tpu.memory_space<vmem>>, vector<16xf32>,
      %mul3A_267 = arith.mulf %get3A_266, %get3A_53 : vector<16xf32>
      %get3A_268 = arith.index_cast %add3A_263 : i32 to index
      %get3A_269 = arith.constant 16 : index
      %get3A_270 = tpu.vector_load %arg20[%get3A_268, %get3A_269] {strides = array<i32>} : memref<64x128xf32, #tpu.memory_space<vmem>>, vector<16xf32>,
      %mul3A_271 = arith.mulf %get3A_270, %get3A_55 : vector<16xf32>
      %add3A_272 = arith.addf %mul3A_267, %mul3A_271 : vector<16xf32>
      %get3A_273 = arith.index_cast %add3A_263 : i32 to index
      %get3A_274 = arith.constant 32 : index
      %get3A_275 = tpu.vector_load %arg20[%get3A_273, %get3A_274] {strides = array<i32>} : memref<64x128xf32, #tpu.memory_space<vmem>>, vector<16xf32>,
      %mul3A_276 = arith.mulf %get3A_275, %get3A_57 : vector<16xf32>
      %add3A_277 = arith.addf %add3A_272, %mul3A_276 : vector<16xf32>
      %get3A_278 = arith.index_cast %add3A_263 : i32 to index
      %get3A_279 = arith.constant 48 : index
      %get3A_280 = tpu.vector_load %arg20[%get3A_278, %get3A_279] {strides = array<i32>} : memref<64x128xf32, #tpu.memory_space<vmem>>, vector<16xf32>,
      %mul3A_281 = arith.mulf %get3A_280, %get3A_59 : vector<16xf32>
      %add3A_282 = arith.addf %add3A_277, %mul3A_281 : vector<16xf32>
      %get3A_283 = arith.index_cast %add3A_263 : i32 to index
      %get3A_284 = arith.constant 64 : index
      %get3A_285 = tpu.vector_load %arg20[%get3A_283, %get3A_284] {strides = array<i32>} : memref<64x128xf32, #tpu.memory_space<vmem>>, vector<16xf32>,
      %mul3A_286 = arith.mulf %get3A_285, %get3A_61 : vector<16xf32>
      %add3A_287 = arith.addf %add3A_282, %mul3A_286 : vector<16xf32>
      %get3A_288 = arith.index_cast %add3A_263 : i32 to index
      %get3A_289 = arith.constant 80 : index
      %get3A_290 = tpu.vector_load %arg20[%get3A_288, %get3A_289] {strides = array<i32>} : memref<64x128xf32, #tpu.memory_space<vmem>>, vector<16xf32>,
      %mul3A_291 = arith.mulf %get3A_290, %get3A_63 : vector<16xf32>
      %add3A_292 = arith.addf %add3A_287, %mul3A_291 : vector<16xf32>
      %get3A_293 = arith.index_cast %add3A_263 : i32 to index
      %get3A_294 = arith.constant 96 : index
      %get3A_295 = tpu.vector_load %arg20[%get3A_293, %get3A_294] {strides = array<i32>} : memref<64x128xf32, #tpu.memory_space<vmem>>, vector<16xf32>,
      %mul3A_296 = arith.mulf %get3A_295, %get3A_65 : vector<16xf32>
      %add3A_297 = arith.addf %add3A_292, %mul3A_296 : vector<16xf32>
      %get3A_298 = arith.index_cast %add3A_263 : i32 to index
      %get3A_299 = arith.constant 112 : index
      %get3A_300 = tpu.vector_load %arg20[%get3A_298, %get3A_299] {strides = array<i32>} : memref<64x128xf32, #tpu.memory_space<vmem>>, vector<16xf32>,
      %mul3A_301 = arith.mulf %get3A_300, %get3A_67 : vector<16xf32>
      %add3A_302 = arith.addf %add3A_297, %mul3A_301 : vector<16xf32>
      %get3A_303 = arith.index_cast %add3A_263 : i32 to index
      %get3A_304 = arith.constant 0 : index
      %get3A_305 = tpu.vector_load %arg23[%get3A_303, %get3A_304] {strides = array<i32>} : memref<64x128xf32, #tpu.memory_space<vmem>>, vector<16xf32>,
      %mul3A_306 = arith.mulf %get3A_305, %get3A_69 : vector<16xf32>
      %add3A_307 = arith.addf %add3A_302, %mul3A_306 : vector<16xf32>
      %get3A_308 = arith.index_cast %add3A_263 : i32 to index
      %get3A_309 = arith.constant 16 : index
      %get3A_310 = tpu.vector_load %arg23[%get3A_308, %get3A_309] {strides = array<i32>} : memref<64x128xf32, #tpu.memory_space<vmem>>, vector<16xf32>,
      %mul3A_311 = arith.mulf %get3A_310, %get3A_71 : vector<16xf32>
      %add3A_312 = arith.addf %add3A_307, %mul3A_311 : vector<16xf32>
      %get3A_313 = arith.index_cast %add3A_263 : i32 to index
      %get3A_314 = arith.constant 32 : index
      %get3A_315 = tpu.vector_load %arg23[%get3A_313, %get3A_314] {strides = array<i32>} : memref<64x128xf32, #tpu.memory_space<vmem>>, vector<16xf32>,
      %mul3A_316 = arith.mulf %get3A_315, %get3A_73 : vector<16xf32>
      %add3A_317 = arith.addf %add3A_312, %mul3A_316 : vector<16xf32>
      %get3A_318 = arith.index_cast %add3A_263 : i32 to index
      %get3A_319 = arith.constant 48 : index
      %get3A_320 = tpu.vector_load %arg23[%get3A_318, %get3A_319] {strides = array<i32>} : memref<64x128xf32, #tpu.memory_space<vmem>>, vector<16xf32>,
      %mul3A_321 = arith.mulf %get3A_320, %get3A_75 : vector<16xf32>
      %add3A_322 = arith.addf %add3A_317, %mul3A_321 : vector<16xf32>
      %get3A_323 = arith.index_cast %add3A_263 : i32 to index
      %get3A_324 = arith.constant 64 : index
      %get3A_325 = tpu.vector_load %arg23[%get3A_323, %get3A_324] {strides = array<i32>} : memref<64x128xf32, #tpu.memory_space<vmem>>, vector<16xf32>,
      %mul3A_326 = arith.mulf %get3A_325, %get3A_77 : vector<16xf32>
      %add3A_327 = arith.addf %add3A_322, %mul3A_326 : vector<16xf32>
      %get3A_328 = arith.index_cast %add3A_263 : i32 to index
      %get3A_329 = arith.constant 80 : index
      %get3A_330 = tpu.vector_load %arg23[%get3A_328, %get3A_329] {strides = array<i32>} : memref<64x128xf32, #tpu.memory_space<vmem>>, vector<16xf32>,
      %mul3A_331 = arith.mulf %get3A_330, %get3A_79 : vector<16xf32>
      %add3A_332 = arith.addf %add3A_327, %mul3A_331 : vector<16xf32>
      %get3A_333 = arith.index_cast %add3A_263 : i32 to index
      %get3A_334 = arith.constant 96 : index
      %get3A_335 = tpu.vector_load %arg23[%get3A_333, %get3A_334] {strides = array<i32>} : memref<64x128xf32, #tpu.memory_space<vmem>>, vector<16xf32>,
      %mul3A_336 = arith.mulf %get3A_335, %get3A_81 : vector<16xf32>
      %add3A_337 = arith.addf %add3A_332, %mul3A_336 : vector<16xf32>
      %get3A_338 = arith.index_cast %add3A_263 : i32 to index
      %get3A_339 = arith.constant 112 : index
      %get3A_340 = tpu.vector_load %arg23[%get3A_338, %get3A_339] {strides = array<i32>} : memref<64x128xf32, #tpu.memory_space<vmem>>, vector<16xf32>,
      %mul3A_341 = arith.mulf %get3A_340, %get3A_83 : vector<16xf32>
      %add3A_342 = arith.addf %add3A_337, %mul3A_341 : vector<16xf32>
      %add3A_343 = arith.constant 64 : i32
      %add3A_344 = arith.addi %add3A_343, %add3A_263 : i32
      %swap3A = arith.index_cast %add3A_344 : i32 to index
      %swap3A_345 = arith.constant 0 : index
      %swap3A_346 = tpu.vector_load %arg11[%swap3A, %swap3A_345] {strides = array<i32>} : memref<512x16xf32, #tpu.memory_space<vmem>>, vector<16xf32>,
      tpu.vector_store %arg11[%swap3A, %swap3A_345], %add3A_342 {strides = array<i32>} : memref<512x16xf32, #tpu.memory_space<vmem>>, vector<16xf32>,
    }
    %scan3A_123 = arith.constant 64 : i32
    %dma_start3A_124 = arith.constant 256 : i32
    %dma_start3A_125 = tpu.memref_slice %arg9[%dma_start3A_124] : memref<512xi32, #tpu.memory_space<vmem>> -> memref<64xi32, #tpu.memory_space<vmem>>
    %dma_start3A_126 = arith.constant 0 : i32
    %dma_start3A_127 = arith.constant 0 : i32
    %dma_start3A_128 = tpu.memref_slice %arg4[%dma_start3A_126, %dma_start3A_127] : memref<100000x128xf32, #tpu.memory_space<hbm>> -> memref<100000x128xf32, #tpu.memory_space<hbm>>
    tpu.enqueue_indirect_dma source(%dma_start3A_128 : memref<100000x128xf32, #tpu.memory_space<hbm>>) target(%arg20 : memref<64x128xf32, #tpu.memory_space<vmem>>) offsets(%dma_start3A_125 : memref<64xi32, #tpu.memory_space<vmem>>) semaphore(%arg26 : memref<!tpu.dma_semaphore, #tpu.memory_space<semaphore_mem>>)
    %dma_start3A_129 = arith.constant 256 : i32
    %dma_start3A_130 = tpu.memref_slice %arg10[%dma_start3A_129] : memref<512xi32, #tpu.memory_space<vmem>> -> memref<64xi32, #tpu.memory_space<vmem>>
    %dma_start3A_131 = arith.constant 0 : i32
    %dma_start3A_132 = arith.constant 0 : i32
    %dma_start3A_133 = tpu.memref_slice %arg5[%dma_start3A_131, %dma_start3A_132] : memref<100000x128xf32, #tpu.memory_space<hbm>> -> memref<100000x128xf32, #tpu.memory_space<hbm>>
    tpu.enqueue_indirect_dma source(%dma_start3A_133 : memref<100000x128xf32, #tpu.memory_space<hbm>>) target(%arg23 : memref<64x128xf32, #tpu.memory_space<vmem>>) offsets(%dma_start3A_130 : memref<64xi32, #tpu.memory_space<vmem>>) semaphore(%arg29 : memref<!tpu.dma_semaphore, #tpu.memory_space<semaphore_mem>>)
    %dma_wait3A_134 = arith.constant 128 : i32
    %dma_wait3A_135 = tpu.memref_slice %arg9[%dma_wait3A_134] : memref<512xi32, #tpu.memory_space<vmem>> -> memref<64xi32, #tpu.memory_space<vmem>>
    %dma_wait3A_136 = arith.constant 0 : i32
    %dma_wait3A_137 = arith.constant 0 : i32
    %dma_wait3A_138 = tpu.memref_slice %arg4[%dma_wait3A_136, %dma_wait3A_137] : memref<100000x128xf32, #tpu.memory_space<hbm>> -> memref<100000x128xf32, #tpu.memory_space<hbm>>
    tpu.wait_indirect_dma semaphore(%arg27 : memref<!tpu.dma_semaphore, #tpu.memory_space<semaphore_mem>>) src(%dma_wait3A_138 : memref<100000x128xf32, #tpu.memory_space<hbm>>) dst(%arg21 : memref<64x128xf32, #tpu.memory_space<vmem>>)
    %dma_wait3A_139 = arith.constant 128 : i32
    %dma_wait3A_140 = tpu.memref_slice %arg10[%dma_wait3A_139] : memref<512xi32, #tpu.memory_space<vmem>> -> memref<64xi32, #tpu.memory_space<vmem>>
    %dma_wait3A_141 = arith.constant 0 : i32
    %dma_wait3A_142 = arith.constant 0 : i32
    %dma_wait3A_143 = tpu.memref_slice %arg5[%dma_wait3A_141, %dma_wait3A_142] : memref<100000x128xf32, #tpu.memory_space<hbm>> -> memref<100000x128xf32, #tpu.memory_space<hbm>>
    tpu.wait_indirect_dma semaphore(%arg30 : memref<!tpu.dma_semaphore, #tpu.memory_space<semaphore_mem>>) src(%dma_wait3A_143 : memref<100000x128xf32, #tpu.memory_space<hbm>>) dst(%arg24 : memref<64x128xf32, #tpu.memory_space<vmem>>)
    %scan3A_144 = arith.constant 0 : i32
    %scan3A_145 = arith.constant 64 : i32
    %scan3A_146 = arith.addi %scan3A_144, %scan3A_145 : i32
    %scan3A_147 = arith.constant 1 : i32
    scf.for %scan3A_259 = %scan3A_144 to %scan3A_146 step %scan3A_147  : i32 {
      %mul3A_260 = arith.constant 1 : i32
      %mul3A_261 = arith.muli %scan3A_259, %mul3A_260 : i32
      %add3A_262 = arith.constant 0 : i32
      %add3A_263 = arith.addi %add3A_262, %mul3A_261 : i32
      %get3A_264 = arith.index_cast %add3A_263 : i32 to index
      %get3A_265 = arith.constant 0 : index
      %get3A_266 = tpu.vector_load %arg21[%get3A_264, %get3A_265] {strides = array<i32>} : memref<64x128xf32, #tpu.memory_space<vmem>>, vector<16xf32>,
      %mul3A_267 = arith.mulf %get3A_266, %get3A_53 : vector<16xf32>
      %get3A_268 = arith.index_cast %add3A_263 : i32 to index
      %get3A_269 = arith.constant 16 : index
      %get3A_270 = tpu.vector_load %arg21[%get3A_268, %get3A_269] {strides = array<i32>} : memref<64x128xf32, #tpu.memory_space<vmem>>, vector<16xf32>,
      %mul3A_271 = arith.mulf %get3A_270, %get3A_55 : vector<16xf32>
      %add3A_272 = arith.addf %mul3A_267, %mul3A_271 : vector<16xf32>
      %get3A_273 = arith.index_cast %add3A_263 : i32 to index
      %get3A_274 = arith.constant 32 : index
      %get3A_275 = tpu.vector_load %arg21[%get3A_273, %get3A_274] {strides = array<i32>} : memref<64x128xf32, #tpu.memory_space<vmem>>, vector<16xf32>,
      %mul3A_276 = arith.mulf %get3A_275, %get3A_57 : vector<16xf32>
      %add3A_277 = arith.addf %add3A_272, %mul3A_276 : vector<16xf32>
      %get3A_278 = arith.index_cast %add3A_263 : i32 to index
      %get3A_279 = arith.constant 48 : index
      %get3A_280 = tpu.vector_load %arg21[%get3A_278, %get3A_279] {strides = array<i32>} : memref<64x128xf32, #tpu.memory_space<vmem>>, vector<16xf32>,
      %mul3A_281 = arith.mulf %get3A_280, %get3A_59 : vector<16xf32>
      %add3A_282 = arith.addf %add3A_277, %mul3A_281 : vector<16xf32>
      %get3A_283 = arith.index_cast %add3A_263 : i32 to index
      %get3A_284 = arith.constant 64 : index
      %get3A_285 = tpu.vector_load %arg21[%get3A_283, %get3A_284] {strides = array<i32>} : memref<64x128xf32, #tpu.memory_space<vmem>>, vector<16xf32>,
      %mul3A_286 = arith.mulf %get3A_285, %get3A_61 : vector<16xf32>
      %add3A_287 = arith.addf %add3A_282, %mul3A_286 : vector<16xf32>
      %get3A_288 = arith.index_cast %add3A_263 : i32 to index
      %get3A_289 = arith.constant 80 : index
      %get3A_290 = tpu.vector_load %arg21[%get3A_288, %get3A_289] {strides = array<i32>} : memref<64x128xf32, #tpu.memory_space<vmem>>, vector<16xf32>,
      %mul3A_291 = arith.mulf %get3A_290, %get3A_63 : vector<16xf32>
      %add3A_292 = arith.addf %add3A_287, %mul3A_291 : vector<16xf32>
      %get3A_293 = arith.index_cast %add3A_263 : i32 to index
      %get3A_294 = arith.constant 96 : index
      %get3A_295 = tpu.vector_load %arg21[%get3A_293, %get3A_294] {strides = array<i32>} : memref<64x128xf32, #tpu.memory_space<vmem>>, vector<16xf32>,
      %mul3A_296 = arith.mulf %get3A_295, %get3A_65 : vector<16xf32>
      %add3A_297 = arith.addf %add3A_292, %mul3A_296 : vector<16xf32>
      %get3A_298 = arith.index_cast %add3A_263 : i32 to index
      %get3A_299 = arith.constant 112 : index
      %get3A_300 = tpu.vector_load %arg21[%get3A_298, %get3A_299] {strides = array<i32>} : memref<64x128xf32, #tpu.memory_space<vmem>>, vector<16xf32>,
      %mul3A_301 = arith.mulf %get3A_300, %get3A_67 : vector<16xf32>
      %add3A_302 = arith.addf %add3A_297, %mul3A_301 : vector<16xf32>
      %get3A_303 = arith.index_cast %add3A_263 : i32 to index
      %get3A_304 = arith.constant 0 : index
      %get3A_305 = tpu.vector_load %arg24[%get3A_303, %get3A_304] {strides = array<i32>} : memref<64x128xf32, #tpu.memory_space<vmem>>, vector<16xf32>,
      %mul3A_306 = arith.mulf %get3A_305, %get3A_69 : vector<16xf32>
      %add3A_307 = arith.addf %add3A_302, %mul3A_306 : vector<16xf32>
      %get3A_308 = arith.index_cast %add3A_263 : i32 to index
      %get3A_309 = arith.constant 16 : index
      %get3A_310 = tpu.vector_load %arg24[%get3A_308, %get3A_309] {strides = array<i32>} : memref<64x128xf32, #tpu.memory_space<vmem>>, vector<16xf32>,
      %mul3A_311 = arith.mulf %get3A_310, %get3A_71 : vector<16xf32>
      %add3A_312 = arith.addf %add3A_307, %mul3A_311 : vector<16xf32>
      %get3A_313 = arith.index_cast %add3A_263 : i32 to index
      %get3A_314 = arith.constant 32 : index
      %get3A_315 = tpu.vector_load %arg24[%get3A_313, %get3A_314] {strides = array<i32>} : memref<64x128xf32, #tpu.memory_space<vmem>>, vector<16xf32>,
      %mul3A_316 = arith.mulf %get3A_315, %get3A_73 : vector<16xf32>
      %add3A_317 = arith.addf %add3A_312, %mul3A_316 : vector<16xf32>
      %get3A_318 = arith.index_cast %add3A_263 : i32 to index
      %get3A_319 = arith.constant 48 : index
      %get3A_320 = tpu.vector_load %arg24[%get3A_318, %get3A_319] {strides = array<i32>} : memref<64x128xf32, #tpu.memory_space<vmem>>, vector<16xf32>,
      %mul3A_321 = arith.mulf %get3A_320, %get3A_75 : vector<16xf32>
      %add3A_322 = arith.addf %add3A_317, %mul3A_321 : vector<16xf32>
      %get3A_323 = arith.index_cast %add3A_263 : i32 to index
      %get3A_324 = arith.constant 64 : index
      %get3A_325 = tpu.vector_load %arg24[%get3A_323, %get3A_324] {strides = array<i32>} : memref<64x128xf32, #tpu.memory_space<vmem>>, vector<16xf32>,
      %mul3A_326 = arith.mulf %get3A_325, %get3A_77 : vector<16xf32>
      %add3A_327 = arith.addf %add3A_322, %mul3A_326 : vector<16xf32>
      %get3A_328 = arith.index_cast %add3A_263 : i32 to index
      %get3A_329 = arith.constant 80 : index
      %get3A_330 = tpu.vector_load %arg24[%get3A_328, %get3A_329] {strides = array<i32>} : memref<64x128xf32, #tpu.memory_space<vmem>>, vector<16xf32>,
      %mul3A_331 = arith.mulf %get3A_330, %get3A_79 : vector<16xf32>
      %add3A_332 = arith.addf %add3A_327, %mul3A_331 : vector<16xf32>
      %get3A_333 = arith.index_cast %add3A_263 : i32 to index
      %get3A_334 = arith.constant 96 : index
      %get3A_335 = tpu.vector_load %arg24[%get3A_333, %get3A_334] {strides = array<i32>} : memref<64x128xf32, #tpu.memory_space<vmem>>, vector<16xf32>,
      %mul3A_336 = arith.mulf %get3A_335, %get3A_81 : vector<16xf32>
      %add3A_337 = arith.addf %add3A_332, %mul3A_336 : vector<16xf32>
      %get3A_338 = arith.index_cast %add3A_263 : i32 to index
      %get3A_339 = arith.constant 112 : index
      %get3A_340 = tpu.vector_load %arg24[%get3A_338, %get3A_339] {strides = array<i32>} : memref<64x128xf32, #tpu.memory_space<vmem>>, vector<16xf32>,
      %mul3A_341 = arith.mulf %get3A_340, %get3A_83 : vector<16xf32>
      %add3A_342 = arith.addf %add3A_337, %mul3A_341 : vector<16xf32>
      %add3A_343 = arith.constant 128 : i32
      %add3A_344 = arith.addi %add3A_343, %add3A_263 : i32
      %swap3A = arith.index_cast %add3A_344 : i32 to index
      %swap3A_345 = arith.constant 0 : index
      %swap3A_346 = tpu.vector_load %arg11[%swap3A, %swap3A_345] {strides = array<i32>} : memref<512x16xf32, #tpu.memory_space<vmem>>, vector<16xf32>,
      tpu.vector_store %arg11[%swap3A, %swap3A_345], %add3A_342 {strides = array<i32>} : memref<512x16xf32, #tpu.memory_space<vmem>>, vector<16xf32>,
    }
    %scan3A_148 = arith.constant 64 : i32
    %dma_start3A_149 = arith.constant 320 : i32
    %dma_start3A_150 = tpu.memref_slice %arg9[%dma_start3A_149] : memref<512xi32, #tpu.memory_space<vmem>> -> memref<64xi32, #tpu.memory_space<vmem>>
    %dma_start3A_151 = arith.constant 0 : i32
    %dma_start3A_152 = arith.constant 0 : i32
    %dma_start3A_153 = tpu.memref_slice %arg4[%dma_start3A_151, %dma_start3A_152] : memref<100000x128xf32, #tpu.memory_space<hbm>> -> memref<100000x128xf32, #tpu.memory_space<hbm>>
    tpu.enqueue_indirect_dma source(%dma_start3A_153 : memref<100000x128xf32, #tpu.memory_space<hbm>>) target(%arg21 : memref<64x128xf32, #tpu.memory_space<vmem>>) offsets(%dma_start3A_150 : memref<64xi32, #tpu.memory_space<vmem>>) semaphore(%arg27 : memref<!tpu.dma_semaphore, #tpu.memory_space<semaphore_mem>>)
    %dma_start3A_154 = arith.constant 320 : i32
    %dma_start3A_155 = tpu.memref_slice %arg10[%dma_start3A_154] : memref<512xi32, #tpu.memory_space<vmem>> -> memref<64xi32, #tpu.memory_space<vmem>>
    %dma_start3A_156 = arith.constant 0 : i32
    %dma_start3A_157 = arith.constant 0 : i32
    %dma_start3A_158 = tpu.memref_slice %arg5[%dma_start3A_156, %dma_start3A_157] : memref<100000x128xf32, #tpu.memory_space<hbm>> -> memref<100000x128xf32, #tpu.memory_space<hbm>>
    tpu.enqueue_indirect_dma source(%dma_start3A_158 : memref<100000x128xf32, #tpu.memory_space<hbm>>) target(%arg24 : memref<64x128xf32, #tpu.memory_space<vmem>>) offsets(%dma_start3A_155 : memref<64xi32, #tpu.memory_space<vmem>>) semaphore(%arg30 : memref<!tpu.dma_semaphore, #tpu.memory_space<semaphore_mem>>)
    %dma_wait3A_159 = arith.constant 192 : i32
    %dma_wait3A_160 = tpu.memref_slice %arg9[%dma_wait3A_159] : memref<512xi32, #tpu.memory_space<vmem>> -> memref<64xi32, #tpu.memory_space<vmem>>
    %dma_wait3A_161 = arith.constant 0 : i32
    %dma_wait3A_162 = arith.constant 0 : i32
    %dma_wait3A_163 = tpu.memref_slice %arg4[%dma_wait3A_161, %dma_wait3A_162] : memref<100000x128xf32, #tpu.memory_space<hbm>> -> memref<100000x128xf32, #tpu.memory_space<hbm>>
    tpu.wait_indirect_dma semaphore(%arg25 : memref<!tpu.dma_semaphore, #tpu.memory_space<semaphore_mem>>) src(%dma_wait3A_163 : memref<100000x128xf32, #tpu.memory_space<hbm>>) dst(%arg19 : memref<64x128xf32, #tpu.memory_space<vmem>>)
    %dma_wait3A_164 = arith.constant 192 : i32
    %dma_wait3A_165 = tpu.memref_slice %arg10[%dma_wait3A_164] : memref<512xi32, #tpu.memory_space<vmem>> -> memref<64xi32, #tpu.memory_space<vmem>>
    %dma_wait3A_166 = arith.constant 0 : i32
    %dma_wait3A_167 = arith.constant 0 : i32
    %dma_wait3A_168 = tpu.memref_slice %arg5[%dma_wait3A_166, %dma_wait3A_167] : memref<100000x128xf32, #tpu.memory_space<hbm>> -> memref<100000x128xf32, #tpu.memory_space<hbm>>
    tpu.wait_indirect_dma semaphore(%arg28 : memref<!tpu.dma_semaphore, #tpu.memory_space<semaphore_mem>>) src(%dma_wait3A_168 : memref<100000x128xf32, #tpu.memory_space<hbm>>) dst(%arg22 : memref<64x128xf32, #tpu.memory_space<vmem>>)
    %scan3A_169 = arith.constant 0 : i32
    %scan3A_170 = arith.constant 64 : i32
    %scan3A_171 = arith.addi %scan3A_169, %scan3A_170 : i32
    %scan3A_172 = arith.constant 1 : i32
    scf.for %scan3A_259 = %scan3A_169 to %scan3A_171 step %scan3A_172  : i32 {
      %mul3A_260 = arith.constant 1 : i32
      %mul3A_261 = arith.muli %scan3A_259, %mul3A_260 : i32
      %add3A_262 = arith.constant 0 : i32
      %add3A_263 = arith.addi %add3A_262, %mul3A_261 : i32
      %get3A_264 = arith.index_cast %add3A_263 : i32 to index
      %get3A_265 = arith.constant 0 : index
      %get3A_266 = tpu.vector_load %arg19[%get3A_264, %get3A_265] {strides = array<i32>} : memref<64x128xf32, #tpu.memory_space<vmem>>, vector<16xf32>,
      %mul3A_267 = arith.mulf %get3A_266, %get3A_53 : vector<16xf32>
      %get3A_268 = arith.index_cast %add3A_263 : i32 to index
      %get3A_269 = arith.constant 16 : index
      %get3A_270 = tpu.vector_load %arg19[%get3A_268, %get3A_269] {strides = array<i32>} : memref<64x128xf32, #tpu.memory_space<vmem>>, vector<16xf32>,
      %mul3A_271 = arith.mulf %get3A_270, %get3A_55 : vector<16xf32>
      %add3A_272 = arith.addf %mul3A_267, %mul3A_271 : vector<16xf32>
      %get3A_273 = arith.index_cast %add3A_263 : i32 to index
      %get3A_274 = arith.constant 32 : index
      %get3A_275 = tpu.vector_load %arg19[%get3A_273, %get3A_274] {strides = array<i32>} : memref<64x128xf32, #tpu.memory_space<vmem>>, vector<16xf32>,
      %mul3A_276 = arith.mulf %get3A_275, %get3A_57 : vector<16xf32>
      %add3A_277 = arith.addf %add3A_272, %mul3A_276 : vector<16xf32>
      %get3A_278 = arith.index_cast %add3A_263 : i32 to index
      %get3A_279 = arith.constant 48 : index
      %get3A_280 = tpu.vector_load %arg19[%get3A_278, %get3A_279] {strides = array<i32>} : memref<64x128xf32, #tpu.memory_space<vmem>>, vector<16xf32>,
      %mul3A_281 = arith.mulf %get3A_280, %get3A_59 : vector<16xf32>
      %add3A_282 = arith.addf %add3A_277, %mul3A_281 : vector<16xf32>
      %get3A_283 = arith.index_cast %add3A_263 : i32 to index
      %get3A_284 = arith.constant 64 : index
      %get3A_285 = tpu.vector_load %arg19[%get3A_283, %get3A_284] {strides = array<i32>} : memref<64x128xf32, #tpu.memory_space<vmem>>, vector<16xf32>,
      %mul3A_286 = arith.mulf %get3A_285, %get3A_61 : vector<16xf32>
      %add3A_287 = arith.addf %add3A_282, %mul3A_286 : vector<16xf32>
      %get3A_288 = arith.index_cast %add3A_263 : i32 to index
      %get3A_289 = arith.constant 80 : index
      %get3A_290 = tpu.vector_load %arg19[%get3A_288, %get3A_289] {strides = array<i32>} : memref<64x128xf32, #tpu.memory_space<vmem>>, vector<16xf32>,
      %mul3A_291 = arith.mulf %get3A_290, %get3A_63 : vector<16xf32>
      %add3A_292 = arith.addf %add3A_287, %mul3A_291 : vector<16xf32>
      %get3A_293 = arith.index_cast %add3A_263 : i32 to index
      %get3A_294 = arith.constant 96 : index
      %get3A_295 = tpu.vector_load %arg19[%get3A_293, %get3A_294] {strides = array<i32>} : memref<64x128xf32, #tpu.memory_space<vmem>>, vector<16xf32>,
      %mul3A_296 = arith.mulf %get3A_295, %get3A_65 : vector<16xf32>
      %add3A_297 = arith.addf %add3A_292, %mul3A_296 : vector<16xf32>
      %get3A_298 = arith.index_cast %add3A_263 : i32 to index
      %get3A_299 = arith.constant 112 : index
      %get3A_300 = tpu.vector_load %arg19[%get3A_298, %get3A_299] {strides = array<i32>} : memref<64x128xf32, #tpu.memory_space<vmem>>, vector<16xf32>,
      %mul3A_301 = arith.mulf %get3A_300, %get3A_67 : vector<16xf32>
      %add3A_302 = arith.addf %add3A_297, %mul3A_301 : vector<16xf32>
      %get3A_303 = arith.index_cast %add3A_263 : i32 to index
      %get3A_304 = arith.constant 0 : index
      %get3A_305 = tpu.vector_load %arg22[%get3A_303, %get3A_304] {strides = array<i32>} : memref<64x128xf32, #tpu.memory_space<vmem>>, vector<16xf32>,
      %mul3A_306 = arith.mulf %get3A_305, %get3A_69 : vector<16xf32>
      %add3A_307 = arith.addf %add3A_302, %mul3A_306 : vector<16xf32>
      %get3A_308 = arith.index_cast %add3A_263 : i32 to index
      %get3A_309 = arith.constant 16 : index
      %get3A_310 = tpu.vector_load %arg22[%get3A_308, %get3A_309] {strides = array<i32>} : memref<64x128xf32, #tpu.memory_space<vmem>>, vector<16xf32>,
      %mul3A_311 = arith.mulf %get3A_310, %get3A_71 : vector<16xf32>
      %add3A_312 = arith.addf %add3A_307, %mul3A_311 : vector<16xf32>
      %get3A_313 = arith.index_cast %add3A_263 : i32 to index
      %get3A_314 = arith.constant 32 : index
      %get3A_315 = tpu.vector_load %arg22[%get3A_313, %get3A_314] {strides = array<i32>} : memref<64x128xf32, #tpu.memory_space<vmem>>, vector<16xf32>,
      %mul3A_316 = arith.mulf %get3A_315, %get3A_73 : vector<16xf32>
      %add3A_317 = arith.addf %add3A_312, %mul3A_316 : vector<16xf32>
      %get3A_318 = arith.index_cast %add3A_263 : i32 to index
      %get3A_319 = arith.constant 48 : index
      %get3A_320 = tpu.vector_load %arg22[%get3A_318, %get3A_319] {strides = array<i32>} : memref<64x128xf32, #tpu.memory_space<vmem>>, vector<16xf32>,
      %mul3A_321 = arith.mulf %get3A_320, %get3A_75 : vector<16xf32>
      %add3A_322 = arith.addf %add3A_317, %mul3A_321 : vector<16xf32>
      %get3A_323 = arith.index_cast %add3A_263 : i32 to index
      %get3A_324 = arith.constant 64 : index
      %get3A_325 = tpu.vector_load %arg22[%get3A_323, %get3A_324] {strides = array<i32>} : memref<64x128xf32, #tpu.memory_space<vmem>>, vector<16xf32>,
      %mul3A_326 = arith.mulf %get3A_325, %get3A_77 : vector<16xf32>
      %add3A_327 = arith.addf %add3A_322, %mul3A_326 : vector<16xf32>
      %get3A_328 = arith.index_cast %add3A_263 : i32 to index
      %get3A_329 = arith.constant 80 : index
      %get3A_330 = tpu.vector_load %arg22[%get3A_328, %get3A_329] {strides = array<i32>} : memref<64x128xf32, #tpu.memory_space<vmem>>, vector<16xf32>,
      %mul3A_331 = arith.mulf %get3A_330, %get3A_79 : vector<16xf32>
      %add3A_332 = arith.addf %add3A_327, %mul3A_331 : vector<16xf32>
      %get3A_333 = arith.index_cast %add3A_263 : i32 to index
      %get3A_334 = arith.constant 96 : index
      %get3A_335 = tpu.vector_load %arg22[%get3A_333, %get3A_334] {strides = array<i32>} : memref<64x128xf32, #tpu.memory_space<vmem>>, vector<16xf32>,
      %mul3A_336 = arith.mulf %get3A_335, %get3A_81 : vector<16xf32>
      %add3A_337 = arith.addf %add3A_332, %mul3A_336 : vector<16xf32>
      %get3A_338 = arith.index_cast %add3A_263 : i32 to index
      %get3A_339 = arith.constant 112 : index
      %get3A_340 = tpu.vector_load %arg22[%get3A_338, %get3A_339] {strides = array<i32>} : memref<64x128xf32, #tpu.memory_space<vmem>>, vector<16xf32>,
      %mul3A_341 = arith.mulf %get3A_340, %get3A_83 : vector<16xf32>
      %add3A_342 = arith.addf %add3A_337, %mul3A_341 : vector<16xf32>
      %add3A_343 = arith.constant 192 : i32
      %add3A_344 = arith.addi %add3A_343, %add3A_263 : i32
      %swap3A = arith.index_cast %add3A_344 : i32 to index
      %swap3A_345 = arith.constant 0 : index
      %swap3A_346 = tpu.vector_load %arg11[%swap3A, %swap3A_345] {strides = array<i32>} : memref<512x16xf32, #tpu.memory_space<vmem>>, vector<16xf32>,
      tpu.vector_store %arg11[%swap3A, %swap3A_345], %add3A_342 {strides = array<i32>} : memref<512x16xf32, #tpu.memory_space<vmem>>, vector<16xf32>,
    }
    %scan3A_173 = arith.constant 64 : i32
    %dma_start3A_174 = arith.constant 384 : i32
    %dma_start3A_175 = tpu.memref_slice %arg9[%dma_start3A_174] : memref<512xi32, #tpu.memory_space<vmem>> -> memref<64xi32, #tpu.memory_space<vmem>>
    %dma_start3A_176 = arith.constant 0 : i32
    %dma_start3A_177 = arith.constant 0 : i32
    %dma_start3A_178 = tpu.memref_slice %arg4[%dma_start3A_176, %dma_start3A_177] : memref<100000x128xf32, #tpu.memory_space<hbm>> -> memref<100000x128xf32, #tpu.memory_space<hbm>>
    tpu.enqueue_indirect_dma source(%dma_start3A_178 : memref<100000x128xf32, #tpu.memory_space<hbm>>) target(%arg19 : memref<64x128xf32, #tpu.memory_space<vmem>>) offsets(%dma_start3A_175 : memref<64xi32, #tpu.memory_space<vmem>>) semaphore(%arg25 : memref<!tpu.dma_semaphore, #tpu.memory_space<semaphore_mem>>)
    %dma_start3A_179 = arith.constant 384 : i32
    %dma_start3A_180 = tpu.memref_slice %arg10[%dma_start3A_179] : memref<512xi32, #tpu.memory_space<vmem>> -> memref<64xi32, #tpu.memory_space<vmem>>
    %dma_start3A_181 = arith.constant 0 : i32
    %dma_start3A_182 = arith.constant 0 : i32
    %dma_start3A_183 = tpu.memref_slice %arg5[%dma_start3A_181, %dma_start3A_182] : memref<100000x128xf32, #tpu.memory_space<hbm>> -> memref<100000x128xf32, #tpu.memory_space<hbm>>
    tpu.enqueue_indirect_dma source(%dma_start3A_183 : memref<100000x128xf32, #tpu.memory_space<hbm>>) target(%arg22 : memref<64x128xf32, #tpu.memory_space<vmem>>) offsets(%dma_start3A_180 : memref<64xi32, #tpu.memory_space<vmem>>) semaphore(%arg28 : memref<!tpu.dma_semaphore, #tpu.memory_space<semaphore_mem>>)
    %dma_wait3A_184 = arith.constant 256 : i32
    %dma_wait3A_185 = tpu.memref_slice %arg9[%dma_wait3A_184] : memref<512xi32, #tpu.memory_space<vmem>> -> memref<64xi32, #tpu.memory_space<vmem>>
    %dma_wait3A_186 = arith.constant 0 : i32
    %dma_wait3A_187 = arith.constant 0 : i32
    %dma_wait3A_188 = tpu.memref_slice %arg4[%dma_wait3A_186, %dma_wait3A_187] : memref<100000x128xf32, #tpu.memory_space<hbm>> -> memref<100000x128xf32, #tpu.memory_space<hbm>>
    tpu.wait_indirect_dma semaphore(%arg26 : memref<!tpu.dma_semaphore, #tpu.memory_space<semaphore_mem>>) src(%dma_wait3A_188 : memref<100000x128xf32, #tpu.memory_space<hbm>>) dst(%arg20 : memref<64x128xf32, #tpu.memory_space<vmem>>)
    %dma_wait3A_189 = arith.constant 256 : i32
    %dma_wait3A_190 = tpu.memref_slice %arg10[%dma_wait3A_189] : memref<512xi32, #tpu.memory_space<vmem>> -> memref<64xi32, #tpu.memory_space<vmem>>
    %dma_wait3A_191 = arith.constant 0 : i32
    %dma_wait3A_192 = arith.constant 0 : i32
    %dma_wait3A_193 = tpu.memref_slice %arg5[%dma_wait3A_191, %dma_wait3A_192] : memref<100000x128xf32, #tpu.memory_space<hbm>> -> memref<100000x128xf32, #tpu.memory_space<hbm>>
    tpu.wait_indirect_dma semaphore(%arg29 : memref<!tpu.dma_semaphore, #tpu.memory_space<semaphore_mem>>) src(%dma_wait3A_193 : memref<100000x128xf32, #tpu.memory_space<hbm>>) dst(%arg23 : memref<64x128xf32, #tpu.memory_space<vmem>>)
    %scan3A_194 = arith.constant 0 : i32
    %scan3A_195 = arith.constant 64 : i32
    %scan3A_196 = arith.addi %scan3A_194, %scan3A_195 : i32
    %scan3A_197 = arith.constant 1 : i32
    scf.for %scan3A_259 = %scan3A_194 to %scan3A_196 step %scan3A_197  : i32 {
      %mul3A_260 = arith.constant 1 : i32
      %mul3A_261 = arith.muli %scan3A_259, %mul3A_260 : i32
      %add3A_262 = arith.constant 0 : i32
      %add3A_263 = arith.addi %add3A_262, %mul3A_261 : i32
      %get3A_264 = arith.index_cast %add3A_263 : i32 to index
      %get3A_265 = arith.constant 0 : index
      %get3A_266 = tpu.vector_load %arg20[%get3A_264, %get3A_265] {strides = array<i32>} : memref<64x128xf32, #tpu.memory_space<vmem>>, vector<16xf32>,
      %mul3A_267 = arith.mulf %get3A_266, %get3A_53 : vector<16xf32>
      %get3A_268 = arith.index_cast %add3A_263 : i32 to index
      %get3A_269 = arith.constant 16 : index
      %get3A_270 = tpu.vector_load %arg20[%get3A_268, %get3A_269] {strides = array<i32>} : memref<64x128xf32, #tpu.memory_space<vmem>>, vector<16xf32>,
      %mul3A_271 = arith.mulf %get3A_270, %get3A_55 : vector<16xf32>
      %add3A_272 = arith.addf %mul3A_267, %mul3A_271 : vector<16xf32>
      %get3A_273 = arith.index_cast %add3A_263 : i32 to index
      %get3A_274 = arith.constant 32 : index
      %get3A_275 = tpu.vector_load %arg20[%get3A_273, %get3A_274] {strides = array<i32>} : memref<64x128xf32, #tpu.memory_space<vmem>>, vector<16xf32>,
      %mul3A_276 = arith.mulf %get3A_275, %get3A_57 : vector<16xf32>
      %add3A_277 = arith.addf %add3A_272, %mul3A_276 : vector<16xf32>
      %get3A_278 = arith.index_cast %add3A_263 : i32 to index
      %get3A_279 = arith.constant 48 : index
      %get3A_280 = tpu.vector_load %arg20[%get3A_278, %get3A_279] {strides = array<i32>} : memref<64x128xf32, #tpu.memory_space<vmem>>, vector<16xf32>,
      %mul3A_281 = arith.mulf %get3A_280, %get3A_59 : vector<16xf32>
      %add3A_282 = arith.addf %add3A_277, %mul3A_281 : vector<16xf32>
      %get3A_283 = arith.index_cast %add3A_263 : i32 to index
      %get3A_284 = arith.constant 64 : index
      %get3A_285 = tpu.vector_load %arg20[%get3A_283, %get3A_284] {strides = array<i32>} : memref<64x128xf32, #tpu.memory_space<vmem>>, vector<16xf32>,
      %mul3A_286 = arith.mulf %get3A_285, %get3A_61 : vector<16xf32>
      %add3A_287 = arith.addf %add3A_282, %mul3A_286 : vector<16xf32>
      %get3A_288 = arith.index_cast %add3A_263 : i32 to index
      %get3A_289 = arith.constant 80 : index
      %get3A_290 = tpu.vector_load %arg20[%get3A_288, %get3A_289] {strides = array<i32>} : memref<64x128xf32, #tpu.memory_space<vmem>>, vector<16xf32>,
      %mul3A_291 = arith.mulf %get3A_290, %get3A_63 : vector<16xf32>
      %add3A_292 = arith.addf %add3A_287, %mul3A_291 : vector<16xf32>
      %get3A_293 = arith.index_cast %add3A_263 : i32 to index
      %get3A_294 = arith.constant 96 : index
      %get3A_295 = tpu.vector_load %arg20[%get3A_293, %get3A_294] {strides = array<i32>} : memref<64x128xf32, #tpu.memory_space<vmem>>, vector<16xf32>,
      %mul3A_296 = arith.mulf %get3A_295, %get3A_65 : vector<16xf32>
      %add3A_297 = arith.addf %add3A_292, %mul3A_296 : vector<16xf32>
      %get3A_298 = arith.index_cast %add3A_263 : i32 to index
      %get3A_299 = arith.constant 112 : index
      %get3A_300 = tpu.vector_load %arg20[%get3A_298, %get3A_299] {strides = array<i32>} : memref<64x128xf32, #tpu.memory_space<vmem>>, vector<16xf32>,
      %mul3A_301 = arith.mulf %get3A_300, %get3A_67 : vector<16xf32>
      %add3A_302 = arith.addf %add3A_297, %mul3A_301 : vector<16xf32>
      %get3A_303 = arith.index_cast %add3A_263 : i32 to index
      %get3A_304 = arith.constant 0 : index
      %get3A_305 = tpu.vector_load %arg23[%get3A_303, %get3A_304] {strides = array<i32>} : memref<64x128xf32, #tpu.memory_space<vmem>>, vector<16xf32>,
      %mul3A_306 = arith.mulf %get3A_305, %get3A_69 : vector<16xf32>
      %add3A_307 = arith.addf %add3A_302, %mul3A_306 : vector<16xf32>
      %get3A_308 = arith.index_cast %add3A_263 : i32 to index
      %get3A_309 = arith.constant 16 : index
      %get3A_310 = tpu.vector_load %arg23[%get3A_308, %get3A_309] {strides = array<i32>} : memref<64x128xf32, #tpu.memory_space<vmem>>, vector<16xf32>,
      %mul3A_311 = arith.mulf %get3A_310, %get3A_71 : vector<16xf32>
      %add3A_312 = arith.addf %add3A_307, %mul3A_311 : vector<16xf32>
      %get3A_313 = arith.index_cast %add3A_263 : i32 to index
      %get3A_314 = arith.constant 32 : index
      %get3A_315 = tpu.vector_load %arg23[%get3A_313, %get3A_314] {strides = array<i32>} : memref<64x128xf32, #tpu.memory_space<vmem>>, vector<16xf32>,
      %mul3A_316 = arith.mulf %get3A_315, %get3A_73 : vector<16xf32>
      %add3A_317 = arith.addf %add3A_312, %mul3A_316 : vector<16xf32>
      %get3A_318 = arith.index_cast %add3A_263 : i32 to index
      %get3A_319 = arith.constant 48 : index
      %get3A_320 = tpu.vector_load %arg23[%get3A_318, %get3A_319] {strides = array<i32>} : memref<64x128xf32, #tpu.memory_space<vmem>>, vector<16xf32>,
      %mul3A_321 = arith.mulf %get3A_320, %get3A_75 : vector<16xf32>
      %add3A_322 = arith.addf %add3A_317, %mul3A_321 : vector<16xf32>
      %get3A_323 = arith.index_cast %add3A_263 : i32 to index
      %get3A_324 = arith.constant 64 : index
      %get3A_325 = tpu.vector_load %arg23[%get3A_323, %get3A_324] {strides = array<i32>} : memref<64x128xf32, #tpu.memory_space<vmem>>, vector<16xf32>,
      %mul3A_326 = arith.mulf %get3A_325, %get3A_77 : vector<16xf32>
      %add3A_327 = arith.addf %add3A_322, %mul3A_326 : vector<16xf32>
      %get3A_328 = arith.index_cast %add3A_263 : i32 to index
      %get3A_329 = arith.constant 80 : index
      %get3A_330 = tpu.vector_load %arg23[%get3A_328, %get3A_329] {strides = array<i32>} : memref<64x128xf32, #tpu.memory_space<vmem>>, vector<16xf32>,
      %mul3A_331 = arith.mulf %get3A_330, %get3A_79 : vector<16xf32>
      %add3A_332 = arith.addf %add3A_327, %mul3A_331 : vector<16xf32>
      %get3A_333 = arith.index_cast %add3A_263 : i32 to index
      %get3A_334 = arith.constant 96 : index
      %get3A_335 = tpu.vector_load %arg23[%get3A_333, %get3A_334] {strides = array<i32>} : memref<64x128xf32, #tpu.memory_space<vmem>>, vector<16xf32>,
      %mul3A_336 = arith.mulf %get3A_335, %get3A_81 : vector<16xf32>
      %add3A_337 = arith.addf %add3A_332, %mul3A_336 : vector<16xf32>
      %get3A_338 = arith.index_cast %add3A_263 : i32 to index
      %get3A_339 = arith.constant 112 : index
      %get3A_340 = tpu.vector_load %arg23[%get3A_338, %get3A_339] {strides = array<i32>} : memref<64x128xf32, #tpu.memory_space<vmem>>, vector<16xf32>,
      %mul3A_341 = arith.mulf %get3A_340, %get3A_83 : vector<16xf32>
      %add3A_342 = arith.addf %add3A_337, %mul3A_341 : vector<16xf32>
      %add3A_343 = arith.constant 256 : i32
      %add3A_344 = arith.addi %add3A_343, %add3A_263 : i32
      %swap3A = arith.index_cast %add3A_344 : i32 to index
      %swap3A_345 = arith.constant 0 : index
      %swap3A_346 = tpu.vector_load %arg11[%swap3A, %swap3A_345] {strides = array<i32>} : memref<512x16xf32, #tpu.memory_space<vmem>>, vector<16xf32>,
      tpu.vector_store %arg11[%swap3A, %swap3A_345], %add3A_342 {strides = array<i32>} : memref<512x16xf32, #tpu.memory_space<vmem>>, vector<16xf32>,
    }
    %scan3A_198 = arith.constant 64 : i32
    %dma_start3A_199 = arith.constant 448 : i32
    %dma_start3A_200 = tpu.memref_slice %arg9[%dma_start3A_199] : memref<512xi32, #tpu.memory_space<vmem>> -> memref<64xi32, #tpu.memory_space<vmem>>
    %dma_start3A_201 = arith.constant 0 : i32
    %dma_start3A_202 = arith.constant 0 : i32
    %dma_start3A_203 = tpu.memref_slice %arg4[%dma_start3A_201, %dma_start3A_202] : memref<100000x128xf32, #tpu.memory_space<hbm>> -> memref<100000x128xf32, #tpu.memory_space<hbm>>
    tpu.enqueue_indirect_dma source(%dma_start3A_203 : memref<100000x128xf32, #tpu.memory_space<hbm>>) target(%arg20 : memref<64x128xf32, #tpu.memory_space<vmem>>) offsets(%dma_start3A_200 : memref<64xi32, #tpu.memory_space<vmem>>) semaphore(%arg26 : memref<!tpu.dma_semaphore, #tpu.memory_space<semaphore_mem>>)
    %dma_start3A_204 = arith.constant 448 : i32
    %dma_start3A_205 = tpu.memref_slice %arg10[%dma_start3A_204] : memref<512xi32, #tpu.memory_space<vmem>> -> memref<64xi32, #tpu.memory_space<vmem>>
    %dma_start3A_206 = arith.constant 0 : i32
    %dma_start3A_207 = arith.constant 0 : i32
    %dma_start3A_208 = tpu.memref_slice %arg5[%dma_start3A_206, %dma_start3A_207] : memref<100000x128xf32, #tpu.memory_space<hbm>> -> memref<100000x128xf32, #tpu.memory_space<hbm>>
    tpu.enqueue_indirect_dma source(%dma_start3A_208 : memref<100000x128xf32, #tpu.memory_space<hbm>>) target(%arg23 : memref<64x128xf32, #tpu.memory_space<vmem>>) offsets(%dma_start3A_205 : memref<64xi32, #tpu.memory_space<vmem>>) semaphore(%arg29 : memref<!tpu.dma_semaphore, #tpu.memory_space<semaphore_mem>>)
    %dma_wait3A_209 = arith.constant 320 : i32
    %dma_wait3A_210 = tpu.memref_slice %arg9[%dma_wait3A_209] : memref<512xi32, #tpu.memory_space<vmem>> -> memref<64xi32, #tpu.memory_space<vmem>>
    %dma_wait3A_211 = arith.constant 0 : i32
    %dma_wait3A_212 = arith.constant 0 : i32
    %dma_wait3A_213 = tpu.memref_slice %arg4[%dma_wait3A_211, %dma_wait3A_212] : memref<100000x128xf32, #tpu.memory_space<hbm>> -> memref<100000x128xf32, #tpu.memory_space<hbm>>
    tpu.wait_indirect_dma semaphore(%arg27 : memref<!tpu.dma_semaphore, #tpu.memory_space<semaphore_mem>>) src(%dma_wait3A_213 : memref<100000x128xf32, #tpu.memory_space<hbm>>) dst(%arg21 : memref<64x128xf32, #tpu.memory_space<vmem>>)
    %dma_wait3A_214 = arith.constant 320 : i32
    %dma_wait3A_215 = tpu.memref_slice %arg10[%dma_wait3A_214] : memref<512xi32, #tpu.memory_space<vmem>> -> memref<64xi32, #tpu.memory_space<vmem>>
    %dma_wait3A_216 = arith.constant 0 : i32
    %dma_wait3A_217 = arith.constant 0 : i32
    %dma_wait3A_218 = tpu.memref_slice %arg5[%dma_wait3A_216, %dma_wait3A_217] : memref<100000x128xf32, #tpu.memory_space<hbm>> -> memref<100000x128xf32, #tpu.memory_space<hbm>>
    tpu.wait_indirect_dma semaphore(%arg30 : memref<!tpu.dma_semaphore, #tpu.memory_space<semaphore_mem>>) src(%dma_wait3A_218 : memref<100000x128xf32, #tpu.memory_space<hbm>>) dst(%arg24 : memref<64x128xf32, #tpu.memory_space<vmem>>)
    %scan3A_219 = arith.constant 0 : i32
    %scan3A_220 = arith.constant 64 : i32
    %scan3A_221 = arith.addi %scan3A_219, %scan3A_220 : i32
    %scan3A_222 = arith.constant 1 : i32
    scf.for %scan3A_259 = %scan3A_219 to %scan3A_221 step %scan3A_222  : i32 {
      %mul3A_260 = arith.constant 1 : i32
      %mul3A_261 = arith.muli %scan3A_259, %mul3A_260 : i32
      %add3A_262 = arith.constant 0 : i32
      %add3A_263 = arith.addi %add3A_262, %mul3A_261 : i32
      %get3A_264 = arith.index_cast %add3A_263 : i32 to index
      %get3A_265 = arith.constant 0 : index
      %get3A_266 = tpu.vector_load %arg21[%get3A_264, %get3A_265] {strides = array<i32>} : memref<64x128xf32, #tpu.memory_space<vmem>>, vector<16xf32>,
      %mul3A_267 = arith.mulf %get3A_266, %get3A_53 : vector<16xf32>
      %get3A_268 = arith.index_cast %add3A_263 : i32 to index
      %get3A_269 = arith.constant 16 : index
      %get3A_270 = tpu.vector_load %arg21[%get3A_268, %get3A_269] {strides = array<i32>} : memref<64x128xf32, #tpu.memory_space<vmem>>, vector<16xf32>,
      %mul3A_271 = arith.mulf %get3A_270, %get3A_55 : vector<16xf32>
      %add3A_272 = arith.addf %mul3A_267, %mul3A_271 : vector<16xf32>
      %get3A_273 = arith.index_cast %add3A_263 : i32 to index
      %get3A_274 = arith.constant 32 : index
      %get3A_275 = tpu.vector_load %arg21[%get3A_273, %get3A_274] {strides = array<i32>} : memref<64x128xf32, #tpu.memory_space<vmem>>, vector<16xf32>,
      %mul3A_276 = arith.mulf %get3A_275, %get3A_57 : vector<16xf32>
      %add3A_277 = arith.addf %add3A_272, %mul3A_276 : vector<16xf32>
      %get3A_278 = arith.index_cast %add3A_263 : i32 to index
      %get3A_279 = arith.constant 48 : index
      %get3A_280 = tpu.vector_load %arg21[%get3A_278, %get3A_279] {strides = array<i32>} : memref<64x128xf32, #tpu.memory_space<vmem>>, vector<16xf32>,
      %mul3A_281 = arith.mulf %get3A_280, %get3A_59 : vector<16xf32>
      %add3A_282 = arith.addf %add3A_277, %mul3A_281 : vector<16xf32>
      %get3A_283 = arith.index_cast %add3A_263 : i32 to index
      %get3A_284 = arith.constant 64 : index
      %get3A_285 = tpu.vector_load %arg21[%get3A_283, %get3A_284] {strides = array<i32>} : memref<64x128xf32, #tpu.memory_space<vmem>>, vector<16xf32>,
      %mul3A_286 = arith.mulf %get3A_285, %get3A_61 : vector<16xf32>
      %add3A_287 = arith.addf %add3A_282, %mul3A_286 : vector<16xf32>
      %get3A_288 = arith.index_cast %add3A_263 : i32 to index
      %get3A_289 = arith.constant 80 : index
      %get3A_290 = tpu.vector_load %arg21[%get3A_288, %get3A_289] {strides = array<i32>} : memref<64x128xf32, #tpu.memory_space<vmem>>, vector<16xf32>,
      %mul3A_291 = arith.mulf %get3A_290, %get3A_63 : vector<16xf32>
      %add3A_292 = arith.addf %add3A_287, %mul3A_291 : vector<16xf32>
      %get3A_293 = arith.index_cast %add3A_263 : i32 to index
      %get3A_294 = arith.constant 96 : index
      %get3A_295 = tpu.vector_load %arg21[%get3A_293, %get3A_294] {strides = array<i32>} : memref<64x128xf32, #tpu.memory_space<vmem>>, vector<16xf32>,
      %mul3A_296 = arith.mulf %get3A_295, %get3A_65 : vector<16xf32>
      %add3A_297 = arith.addf %add3A_292, %mul3A_296 : vector<16xf32>
      %get3A_298 = arith.index_cast %add3A_263 : i32 to index
      %get3A_299 = arith.constant 112 : index
      %get3A_300 = tpu.vector_load %arg21[%get3A_298, %get3A_299] {strides = array<i32>} : memref<64x128xf32, #tpu.memory_space<vmem>>, vector<16xf32>,
      %mul3A_301 = arith.mulf %get3A_300, %get3A_67 : vector<16xf32>
      %add3A_302 = arith.addf %add3A_297, %mul3A_301 : vector<16xf32>
      %get3A_303 = arith.index_cast %add3A_263 : i32 to index
      %get3A_304 = arith.constant 0 : index
      %get3A_305 = tpu.vector_load %arg24[%get3A_303, %get3A_304] {strides = array<i32>} : memref<64x128xf32, #tpu.memory_space<vmem>>, vector<16xf32>,
      %mul3A_306 = arith.mulf %get3A_305, %get3A_69 : vector<16xf32>
      %add3A_307 = arith.addf %add3A_302, %mul3A_306 : vector<16xf32>
      %get3A_308 = arith.index_cast %add3A_263 : i32 to index
      %get3A_309 = arith.constant 16 : index
      %get3A_310 = tpu.vector_load %arg24[%get3A_308, %get3A_309] {strides = array<i32>} : memref<64x128xf32, #tpu.memory_space<vmem>>, vector<16xf32>,
      %mul3A_311 = arith.mulf %get3A_310, %get3A_71 : vector<16xf32>
      %add3A_312 = arith.addf %add3A_307, %mul3A_311 : vector<16xf32>
      %get3A_313 = arith.index_cast %add3A_263 : i32 to index
      %get3A_314 = arith.constant 32 : index
      %get3A_315 = tpu.vector_load %arg24[%get3A_313, %get3A_314] {strides = array<i32>} : memref<64x128xf32, #tpu.memory_space<vmem>>, vector<16xf32>,
      %mul3A_316 = arith.mulf %get3A_315, %get3A_73 : vector<16xf32>
      %add3A_317 = arith.addf %add3A_312, %mul3A_316 : vector<16xf32>
      %get3A_318 = arith.index_cast %add3A_263 : i32 to index
      %get3A_319 = arith.constant 48 : index
      %get3A_320 = tpu.vector_load %arg24[%get3A_318, %get3A_319] {strides = array<i32>} : memref<64x128xf32, #tpu.memory_space<vmem>>, vector<16xf32>,
      %mul3A_321 = arith.mulf %get3A_320, %get3A_75 : vector<16xf32>
      %add3A_322 = arith.addf %add3A_317, %mul3A_321 : vector<16xf32>
      %get3A_323 = arith.index_cast %add3A_263 : i32 to index
      %get3A_324 = arith.constant 64 : index
      %get3A_325 = tpu.vector_load %arg24[%get3A_323, %get3A_324] {strides = array<i32>} : memref<64x128xf32, #tpu.memory_space<vmem>>, vector<16xf32>,
      %mul3A_326 = arith.mulf %get3A_325, %get3A_77 : vector<16xf32>
      %add3A_327 = arith.addf %add3A_322, %mul3A_326 : vector<16xf32>
      %get3A_328 = arith.index_cast %add3A_263 : i32 to index
      %get3A_329 = arith.constant 80 : index
      %get3A_330 = tpu.vector_load %arg24[%get3A_328, %get3A_329] {strides = array<i32>} : memref<64x128xf32, #tpu.memory_space<vmem>>, vector<16xf32>,
      %mul3A_331 = arith.mulf %get3A_330, %get3A_79 : vector<16xf32>
      %add3A_332 = arith.addf %add3A_327, %mul3A_331 : vector<16xf32>
      %get3A_333 = arith.index_cast %add3A_263 : i32 to index
      %get3A_334 = arith.constant 96 : index
      %get3A_335 = tpu.vector_load %arg24[%get3A_333, %get3A_334] {strides = array<i32>} : memref<64x128xf32, #tpu.memory_space<vmem>>, vector<16xf32>,
      %mul3A_336 = arith.mulf %get3A_335, %get3A_81 : vector<16xf32>
      %add3A_337 = arith.addf %add3A_332, %mul3A_336 : vector<16xf32>
      %get3A_338 = arith.index_cast %add3A_263 : i32 to index
      %get3A_339 = arith.constant 112 : index
      %get3A_340 = tpu.vector_load %arg24[%get3A_338, %get3A_339] {strides = array<i32>} : memref<64x128xf32, #tpu.memory_space<vmem>>, vector<16xf32>,
      %mul3A_341 = arith.mulf %get3A_340, %get3A_83 : vector<16xf32>
      %add3A_342 = arith.addf %add3A_337, %mul3A_341 : vector<16xf32>
      %add3A_343 = arith.constant 320 : i32
      %add3A_344 = arith.addi %add3A_343, %add3A_263 : i32
      %swap3A = arith.index_cast %add3A_344 : i32 to index
      %swap3A_345 = arith.constant 0 : index
      %swap3A_346 = tpu.vector_load %arg11[%swap3A, %swap3A_345] {strides = array<i32>} : memref<512x16xf32, #tpu.memory_space<vmem>>, vector<16xf32>,
      tpu.vector_store %arg11[%swap3A, %swap3A_345], %add3A_342 {strides = array<i32>} : memref<512x16xf32, #tpu.memory_space<vmem>>, vector<16xf32>,
    }
    %scan3A_223 = arith.constant 64 : i32
    %dma_wait3A_224 = arith.constant 384 : i32
    %dma_wait3A_225 = tpu.memref_slice %arg9[%dma_wait3A_224] : memref<512xi32, #tpu.memory_space<vmem>> -> memref<64xi32, #tpu.memory_space<vmem>>
    %dma_wait3A_226 = arith.constant 0 : i32
    %dma_wait3A_227 = arith.constant 0 : i32
    %dma_wait3A_228 = tpu.memref_slice %arg4[%dma_wait3A_226, %dma_wait3A_227] : memref<100000x128xf32, #tpu.memory_space<hbm>> -> memref<100000x128xf32, #tpu.memory_space<hbm>>
    tpu.wait_indirect_dma semaphore(%arg25 : memref<!tpu.dma_semaphore, #tpu.memory_space<semaphore_mem>>) src(%dma_wait3A_228 : memref<100000x128xf32, #tpu.memory_space<hbm>>) dst(%arg19 : memref<64x128xf32, #tpu.memory_space<vmem>>)
    %dma_wait3A_229 = arith.constant 384 : i32
    %dma_wait3A_230 = tpu.memref_slice %arg10[%dma_wait3A_229] : memref<512xi32, #tpu.memory_space<vmem>> -> memref<64xi32, #tpu.memory_space<vmem>>
    %dma_wait3A_231 = arith.constant 0 : i32
    %dma_wait3A_232 = arith.constant 0 : i32
    %dma_wait3A_233 = tpu.memref_slice %arg5[%dma_wait3A_231, %dma_wait3A_232] : memref<100000x128xf32, #tpu.memory_space<hbm>> -> memref<100000x128xf32, #tpu.memory_space<hbm>>
    tpu.wait_indirect_dma semaphore(%arg28 : memref<!tpu.dma_semaphore, #tpu.memory_space<semaphore_mem>>) src(%dma_wait3A_233 : memref<100000x128xf32, #tpu.memory_space<hbm>>) dst(%arg22 : memref<64x128xf32, #tpu.memory_space<vmem>>)
    %scan3A_234 = arith.constant 0 : i32
    %scan3A_235 = arith.constant 64 : i32
    %scan3A_236 = arith.addi %scan3A_234, %scan3A_235 : i32
    %scan3A_237 = arith.constant 1 : i32
    scf.for %scan3A_259 = %scan3A_234 to %scan3A_236 step %scan3A_237  : i32 {
      %mul3A_260 = arith.constant 1 : i32
      %mul3A_261 = arith.muli %scan3A_259, %mul3A_260 : i32
      %add3A_262 = arith.constant 0 : i32
      %add3A_263 = arith.addi %add3A_262, %mul3A_261 : i32
      %get3A_264 = arith.index_cast %add3A_263 : i32 to index
      %get3A_265 = arith.constant 0 : index
      %get3A_266 = tpu.vector_load %arg19[%get3A_264, %get3A_265] {strides = array<i32>} : memref<64x128xf32, #tpu.memory_space<vmem>>, vector<16xf32>,
      %mul3A_267 = arith.mulf %get3A_266, %get3A_53 : vector<16xf32>
      %get3A_268 = arith.index_cast %add3A_263 : i32 to index
      %get3A_269 = arith.constant 16 : index
      %get3A_270 = tpu.vector_load %arg19[%get3A_268, %get3A_269] {strides = array<i32>} : memref<64x128xf32, #tpu.memory_space<vmem>>, vector<16xf32>,
      %mul3A_271 = arith.mulf %get3A_270, %get3A_55 : vector<16xf32>
      %add3A_272 = arith.addf %mul3A_267, %mul3A_271 : vector<16xf32>
      %get3A_273 = arith.index_cast %add3A_263 : i32 to index
      %get3A_274 = arith.constant 32 : index
      %get3A_275 = tpu.vector_load %arg19[%get3A_273, %get3A_274] {strides = array<i32>} : memref<64x128xf32, #tpu.memory_space<vmem>>, vector<16xf32>,
      %mul3A_276 = arith.mulf %get3A_275, %get3A_57 : vector<16xf32>
      %add3A_277 = arith.addf %add3A_272, %mul3A_276 : vector<16xf32>
      %get3A_278 = arith.index_cast %add3A_263 : i32 to index
      %get3A_279 = arith.constant 48 : index
      %get3A_280 = tpu.vector_load %arg19[%get3A_278, %get3A_279] {strides = array<i32>} : memref<64x128xf32, #tpu.memory_space<vmem>>, vector<16xf32>,
      %mul3A_281 = arith.mulf %get3A_280, %get3A_59 : vector<16xf32>
      %add3A_282 = arith.addf %add3A_277, %mul3A_281 : vector<16xf32>
      %get3A_283 = arith.index_cast %add3A_263 : i32 to index
      %get3A_284 = arith.constant 64 : index
      %get3A_285 = tpu.vector_load %arg19[%get3A_283, %get3A_284] {strides = array<i32>} : memref<64x128xf32, #tpu.memory_space<vmem>>, vector<16xf32>,
      %mul3A_286 = arith.mulf %get3A_285, %get3A_61 : vector<16xf32>
      %add3A_287 = arith.addf %add3A_282, %mul3A_286 : vector<16xf32>
      %get3A_288 = arith.index_cast %add3A_263 : i32 to index
      %get3A_289 = arith.constant 80 : index
      %get3A_290 = tpu.vector_load %arg19[%get3A_288, %get3A_289] {strides = array<i32>} : memref<64x128xf32, #tpu.memory_space<vmem>>, vector<16xf32>,
      %mul3A_291 = arith.mulf %get3A_290, %get3A_63 : vector<16xf32>
      %add3A_292 = arith.addf %add3A_287, %mul3A_291 : vector<16xf32>
      %get3A_293 = arith.index_cast %add3A_263 : i32 to index
      %get3A_294 = arith.constant 96 : index
      %get3A_295 = tpu.vector_load %arg19[%get3A_293, %get3A_294] {strides = array<i32>} : memref<64x128xf32, #tpu.memory_space<vmem>>, vector<16xf32>,
      %mul3A_296 = arith.mulf %get3A_295, %get3A_65 : vector<16xf32>
      %add3A_297 = arith.addf %add3A_292, %mul3A_296 : vector<16xf32>
      %get3A_298 = arith.index_cast %add3A_263 : i32 to index
      %get3A_299 = arith.constant 112 : index
      %get3A_300 = tpu.vector_load %arg19[%get3A_298, %get3A_299] {strides = array<i32>} : memref<64x128xf32, #tpu.memory_space<vmem>>, vector<16xf32>,
      %mul3A_301 = arith.mulf %get3A_300, %get3A_67 : vector<16xf32>
      %add3A_302 = arith.addf %add3A_297, %mul3A_301 : vector<16xf32>
      %get3A_303 = arith.index_cast %add3A_263 : i32 to index
      %get3A_304 = arith.constant 0 : index
      %get3A_305 = tpu.vector_load %arg22[%get3A_303, %get3A_304] {strides = array<i32>} : memref<64x128xf32, #tpu.memory_space<vmem>>, vector<16xf32>,
      %mul3A_306 = arith.mulf %get3A_305, %get3A_69 : vector<16xf32>
      %add3A_307 = arith.addf %add3A_302, %mul3A_306 : vector<16xf32>
      %get3A_308 = arith.index_cast %add3A_263 : i32 to index
      %get3A_309 = arith.constant 16 : index
      %get3A_310 = tpu.vector_load %arg22[%get3A_308, %get3A_309] {strides = array<i32>} : memref<64x128xf32, #tpu.memory_space<vmem>>, vector<16xf32>,
      %mul3A_311 = arith.mulf %get3A_310, %get3A_71 : vector<16xf32>
      %add3A_312 = arith.addf %add3A_307, %mul3A_311 : vector<16xf32>
      %get3A_313 = arith.index_cast %add3A_263 : i32 to index
      %get3A_314 = arith.constant 32 : index
      %get3A_315 = tpu.vector_load %arg22[%get3A_313, %get3A_314] {strides = array<i32>} : memref<64x128xf32, #tpu.memory_space<vmem>>, vector<16xf32>,
      %mul3A_316 = arith.mulf %get3A_315, %get3A_73 : vector<16xf32>
      %add3A_317 = arith.addf %add3A_312, %mul3A_316 : vector<16xf32>
      %get3A_318 = arith.index_cast %add3A_263 : i32 to index
      %get3A_319 = arith.constant 48 : index
      %get3A_320 = tpu.vector_load %arg22[%get3A_318, %get3A_319] {strides = array<i32>} : memref<64x128xf32, #tpu.memory_space<vmem>>, vector<16xf32>,
      %mul3A_321 = arith.mulf %get3A_320, %get3A_75 : vector<16xf32>
      %add3A_322 = arith.addf %add3A_317, %mul3A_321 : vector<16xf32>
      %get3A_323 = arith.index_cast %add3A_263 : i32 to index
      %get3A_324 = arith.constant 64 : index
      %get3A_325 = tpu.vector_load %arg22[%get3A_323, %get3A_324] {strides = array<i32>} : memref<64x128xf32, #tpu.memory_space<vmem>>, vector<16xf32>,
      %mul3A_326 = arith.mulf %get3A_325, %get3A_77 : vector<16xf32>
      %add3A_327 = arith.addf %add3A_322, %mul3A_326 : vector<16xf32>
      %get3A_328 = arith.index_cast %add3A_263 : i32 to index
      %get3A_329 = arith.constant 80 : index
      %get3A_330 = tpu.vector_load %arg22[%get3A_328, %get3A_329] {strides = array<i32>} : memref<64x128xf32, #tpu.memory_space<vmem>>, vector<16xf32>,
      %mul3A_331 = arith.mulf %get3A_330, %get3A_79 : vector<16xf32>
      %add3A_332 = arith.addf %add3A_327, %mul3A_331 : vector<16xf32>
      %get3A_333 = arith.index_cast %add3A_263 : i32 to index
      %get3A_334 = arith.constant 96 : index
      %get3A_335 = tpu.vector_load %arg22[%get3A_333, %get3A_334] {strides = array<i32>} : memref<64x128xf32, #tpu.memory_space<vmem>>, vector<16xf32>,
      %mul3A_336 = arith.mulf %get3A_335, %get3A_81 : vector<16xf32>
      %add3A_337 = arith.addf %add3A_332, %mul3A_336 : vector<16xf32>
      %get3A_338 = arith.index_cast %add3A_263 : i32 to index
      %get3A_339 = arith.constant 112 : index
      %get3A_340 = tpu.vector_load %arg22[%get3A_338, %get3A_339] {strides = array<i32>} : memref<64x128xf32, #tpu.memory_space<vmem>>, vector<16xf32>,
      %mul3A_341 = arith.mulf %get3A_340, %get3A_83 : vector<16xf32>
      %add3A_342 = arith.addf %add3A_337, %mul3A_341 : vector<16xf32>
      %add3A_343 = arith.constant 384 : i32
      %add3A_344 = arith.addi %add3A_343, %add3A_263 : i32
      %swap3A = arith.index_cast %add3A_344 : i32 to index
      %swap3A_345 = arith.constant 0 : index
      %swap3A_346 = tpu.vector_load %arg11[%swap3A, %swap3A_345] {strides = array<i32>} : memref<512x16xf32, #tpu.memory_space<vmem>>, vector<16xf32>,
      tpu.vector_store %arg11[%swap3A, %swap3A_345], %add3A_342 {strides = array<i32>} : memref<512x16xf32, #tpu.memory_space<vmem>>, vector<16xf32>,
    }
    %scan3A_238 = arith.constant 64 : i32
    %dma_wait3A_239 = arith.constant 448 : i32
    %dma_wait3A_240 = tpu.memref_slice %arg9[%dma_wait3A_239] : memref<512xi32, #tpu.memory_space<vmem>> -> memref<64xi32, #tpu.memory_space<vmem>>
    %dma_wait3A_241 = arith.constant 0 : i32
    %dma_wait3A_242 = arith.constant 0 : i32
    %dma_wait3A_243 = tpu.memref_slice %arg4[%dma_wait3A_241, %dma_wait3A_242] : memref<100000x128xf32, #tpu.memory_space<hbm>> -> memref<100000x128xf32, #tpu.memory_space<hbm>>
    tpu.wait_indirect_dma semaphore(%arg26 : memref<!tpu.dma_semaphore, #tpu.memory_space<semaphore_mem>>) src(%dma_wait3A_243 : memref<100000x128xf32, #tpu.memory_space<hbm>>) dst(%arg20 : memref<64x128xf32, #tpu.memory_space<vmem>>)
    %dma_wait3A_244 = arith.constant 448 : i32
    %dma_wait3A_245 = tpu.memref_slice %arg10[%dma_wait3A_244] : memref<512xi32, #tpu.memory_space<vmem>> -> memref<64xi32, #tpu.memory_space<vmem>>
    %dma_wait3A_246 = arith.constant 0 : i32
    %dma_wait3A_247 = arith.constant 0 : i32
    %dma_wait3A_248 = tpu.memref_slice %arg5[%dma_wait3A_246, %dma_wait3A_247] : memref<100000x128xf32, #tpu.memory_space<hbm>> -> memref<100000x128xf32, #tpu.memory_space<hbm>>
    tpu.wait_indirect_dma semaphore(%arg29 : memref<!tpu.dma_semaphore, #tpu.memory_space<semaphore_mem>>) src(%dma_wait3A_248 : memref<100000x128xf32, #tpu.memory_space<hbm>>) dst(%arg23 : memref<64x128xf32, #tpu.memory_space<vmem>>)
    %scan3A_249 = arith.constant 0 : i32
    %scan3A_250 = arith.constant 64 : i32
    %scan3A_251 = arith.addi %scan3A_249, %scan3A_250 : i32
    %scan3A_252 = arith.constant 1 : i32
    scf.for %scan3A_259 = %scan3A_249 to %scan3A_251 step %scan3A_252  : i32 {
      %mul3A_260 = arith.constant 1 : i32
      %mul3A_261 = arith.muli %scan3A_259, %mul3A_260 : i32
      %add3A_262 = arith.constant 0 : i32
      %add3A_263 = arith.addi %add3A_262, %mul3A_261 : i32
      %get3A_264 = arith.index_cast %add3A_263 : i32 to index
      %get3A_265 = arith.constant 0 : index
      %get3A_266 = tpu.vector_load %arg20[%get3A_264, %get3A_265] {strides = array<i32>} : memref<64x128xf32, #tpu.memory_space<vmem>>, vector<16xf32>,
      %mul3A_267 = arith.mulf %get3A_266, %get3A_53 : vector<16xf32>
      %get3A_268 = arith.index_cast %add3A_263 : i32 to index
      %get3A_269 = arith.constant 16 : index
      %get3A_270 = tpu.vector_load %arg20[%get3A_268, %get3A_269] {strides = array<i32>} : memref<64x128xf32, #tpu.memory_space<vmem>>, vector<16xf32>,
      %mul3A_271 = arith.mulf %get3A_270, %get3A_55 : vector<16xf32>
      %add3A_272 = arith.addf %mul3A_267, %mul3A_271 : vector<16xf32>
      %get3A_273 = arith.index_cast %add3A_263 : i32 to index
      %get3A_274 = arith.constant 32 : index
      %get3A_275 = tpu.vector_load %arg20[%get3A_273, %get3A_274] {strides = array<i32>} : memref<64x128xf32, #tpu.memory_space<vmem>>, vector<16xf32>,
      %mul3A_276 = arith.mulf %get3A_275, %get3A_57 : vector<16xf32>
      %add3A_277 = arith.addf %add3A_272, %mul3A_276 : vector<16xf32>
      %get3A_278 = arith.index_cast %add3A_263 : i32 to index
      %get3A_279 = arith.constant 48 : index
      %get3A_280 = tpu.vector_load %arg20[%get3A_278, %get3A_279] {strides = array<i32>} : memref<64x128xf32, #tpu.memory_space<vmem>>, vector<16xf32>,
      %mul3A_281 = arith.mulf %get3A_280, %get3A_59 : vector<16xf32>
      %add3A_282 = arith.addf %add3A_277, %mul3A_281 : vector<16xf32>
      %get3A_283 = arith.index_cast %add3A_263 : i32 to index
      %get3A_284 = arith.constant 64 : index
      %get3A_285 = tpu.vector_load %arg20[%get3A_283, %get3A_284] {strides = array<i32>} : memref<64x128xf32, #tpu.memory_space<vmem>>, vector<16xf32>,
      %mul3A_286 = arith.mulf %get3A_285, %get3A_61 : vector<16xf32>
      %add3A_287 = arith.addf %add3A_282, %mul3A_286 : vector<16xf32>
      %get3A_288 = arith.index_cast %add3A_263 : i32 to index
      %get3A_289 = arith.constant 80 : index
      %get3A_290 = tpu.vector_load %arg20[%get3A_288, %get3A_289] {strides = array<i32>} : memref<64x128xf32, #tpu.memory_space<vmem>>, vector<16xf32>,
      %mul3A_291 = arith.mulf %get3A_290, %get3A_63 : vector<16xf32>
      %add3A_292 = arith.addf %add3A_287, %mul3A_291 : vector<16xf32>
      %get3A_293 = arith.index_cast %add3A_263 : i32 to index
      %get3A_294 = arith.constant 96 : index
      %get3A_295 = tpu.vector_load %arg20[%get3A_293, %get3A_294] {strides = array<i32>} : memref<64x128xf32, #tpu.memory_space<vmem>>, vector<16xf32>,
      %mul3A_296 = arith.mulf %get3A_295, %get3A_65 : vector<16xf32>
      %add3A_297 = arith.addf %add3A_292, %mul3A_296 : vector<16xf32>
      %get3A_298 = arith.index_cast %add3A_263 : i32 to index
      %get3A_299 = arith.constant 112 : index
      %get3A_300 = tpu.vector_load %arg20[%get3A_298, %get3A_299] {strides = array<i32>} : memref<64x128xf32, #tpu.memory_space<vmem>>, vector<16xf32>,
      %mul3A_301 = arith.mulf %get3A_300, %get3A_67 : vector<16xf32>
      %add3A_302 = arith.addf %add3A_297, %mul3A_301 : vector<16xf32>
      %get3A_303 = arith.index_cast %add3A_263 : i32 to index
      %get3A_304 = arith.constant 0 : index
      %get3A_305 = tpu.vector_load %arg23[%get3A_303, %get3A_304] {strides = array<i32>} : memref<64x128xf32, #tpu.memory_space<vmem>>, vector<16xf32>,
      %mul3A_306 = arith.mulf %get3A_305, %get3A_69 : vector<16xf32>
      %add3A_307 = arith.addf %add3A_302, %mul3A_306 : vector<16xf32>
      %get3A_308 = arith.index_cast %add3A_263 : i32 to index
      %get3A_309 = arith.constant 16 : index
      %get3A_310 = tpu.vector_load %arg23[%get3A_308, %get3A_309] {strides = array<i32>} : memref<64x128xf32, #tpu.memory_space<vmem>>, vector<16xf32>,
      %mul3A_311 = arith.mulf %get3A_310, %get3A_71 : vector<16xf32>
      %add3A_312 = arith.addf %add3A_307, %mul3A_311 : vector<16xf32>
      %get3A_313 = arith.index_cast %add3A_263 : i32 to index
      %get3A_314 = arith.constant 32 : index
      %get3A_315 = tpu.vector_load %arg23[%get3A_313, %get3A_314] {strides = array<i32>} : memref<64x128xf32, #tpu.memory_space<vmem>>, vector<16xf32>,
      %mul3A_316 = arith.mulf %get3A_315, %get3A_73 : vector<16xf32>
      %add3A_317 = arith.addf %add3A_312, %mul3A_316 : vector<16xf32>
      %get3A_318 = arith.index_cast %add3A_263 : i32 to index
      %get3A_319 = arith.constant 48 : index
      %get3A_320 = tpu.vector_load %arg23[%get3A_318, %get3A_319] {strides = array<i32>} : memref<64x128xf32, #tpu.memory_space<vmem>>, vector<16xf32>,
      %mul3A_321 = arith.mulf %get3A_320, %get3A_75 : vector<16xf32>
      %add3A_322 = arith.addf %add3A_317, %mul3A_321 : vector<16xf32>
      %get3A_323 = arith.index_cast %add3A_263 : i32 to index
      %get3A_324 = arith.constant 64 : index
      %get3A_325 = tpu.vector_load %arg23[%get3A_323, %get3A_324] {strides = array<i32>} : memref<64x128xf32, #tpu.memory_space<vmem>>, vector<16xf32>,
      %mul3A_326 = arith.mulf %get3A_325, %get3A_77 : vector<16xf32>
      %add3A_327 = arith.addf %add3A_322, %mul3A_326 : vector<16xf32>
      %get3A_328 = arith.index_cast %add3A_263 : i32 to index
      %get3A_329 = arith.constant 80 : index
      %get3A_330 = tpu.vector_load %arg23[%get3A_328, %get3A_329] {strides = array<i32>} : memref<64x128xf32, #tpu.memory_space<vmem>>, vector<16xf32>,
      %mul3A_331 = arith.mulf %get3A_330, %get3A_79 : vector<16xf32>
      %add3A_332 = arith.addf %add3A_327, %mul3A_331 : vector<16xf32>
      %get3A_333 = arith.index_cast %add3A_263 : i32 to index
      %get3A_334 = arith.constant 96 : index
      %get3A_335 = tpu.vector_load %arg23[%get3A_333, %get3A_334] {strides = array<i32>} : memref<64x128xf32, #tpu.memory_space<vmem>>, vector<16xf32>,
      %mul3A_336 = arith.mulf %get3A_335, %get3A_81 : vector<16xf32>
      %add3A_337 = arith.addf %add3A_332, %mul3A_336 : vector<16xf32>
      %get3A_338 = arith.index_cast %add3A_263 : i32 to index
      %get3A_339 = arith.constant 112 : index
      %get3A_340 = tpu.vector_load %arg23[%get3A_338, %get3A_339] {strides = array<i32>} : memref<64x128xf32, #tpu.memory_space<vmem>>, vector<16xf32>,
      %mul3A_341 = arith.mulf %get3A_340, %get3A_83 : vector<16xf32>
      %add3A_342 = arith.addf %add3A_337, %mul3A_341 : vector<16xf32>
      %add3A_343 = arith.constant 448 : i32
      %add3A_344 = arith.addi %add3A_343, %add3A_263 : i32
      %swap3A = arith.index_cast %add3A_344 : i32 to index
      %swap3A_345 = arith.constant 0 : index
      %swap3A_346 = tpu.vector_load %arg11[%swap3A, %swap3A_345] {strides = array<i32>} : memref<512x16xf32, #tpu.memory_space<vmem>>, vector<16xf32>,
      tpu.vector_store %arg11[%swap3A, %swap3A_345], %add3A_342 {strides = array<i32>} : memref<512x16xf32, #tpu.memory_space<vmem>>, vector<16xf32>,
    }
    %scan3A_253 = arith.constant 64 : i32
    %scan3A_254 = arith.constant 0 : i32
    %scan3A_255 = arith.constant 32 : i32
    %scan3A_256 = arith.addi %scan3A_254, %scan3A_255 : i32
    %scan3A_257 = arith.constant 1 : i32
    scf.for %scan3A_259 = %scan3A_254 to %scan3A_256 step %scan3A_257  : i32 {
      %mul3A_260 = arith.constant 16 : i32
      %mul3A_261 = arith.muli %scan3A_259, %mul3A_260 : i32
      %add3A_262 = arith.constant 0 : i32
      %add3A_263 = arith.addi %add3A_262, %mul3A_261 : i32
      %iota3A = tpu.iota {dimensions = array<i32: 0>} : vector<16xi32>
      %add3A_264 = vector.broadcast %add3A_263 : i32 to vector<16xi32>
      %add3A_265 = arith.addi %add3A_264, %iota3A : vector<16xi32>
      %broadcast_in_dim3A_266 = arith.constant 0 : i32
      %broadcast_in_dim3A_267 = vector.broadcast %broadcast_in_dim3A_266 : i32 to vector<16xi32>
      %gather3A_268 = tpu.vector_load_idx %arg11[%add3A_265, %broadcast_in_dim3A_267] : memref<512x16xf32, #tpu.memory_space<vmem>>[vector<16xi32>, vector<16xi32>], vector<16xf32>,
      %broadcast_in_dim3A_269 = arith.constant 1 : i32
      %broadcast_in_dim3A_270 = vector.broadcast %broadcast_in_dim3A_269 : i32 to vector<16xi32>
      %gather3A_271 = tpu.vector_load_idx %arg11[%add3A_265, %broadcast_in_dim3A_270] : memref<512x16xf32, #tpu.memory_space<vmem>>[vector<16xi32>, vector<16xi32>], vector<16xf32>,
      %add3A_272 = arith.addf %gather3A_268, %gather3A_271 : vector<16xf32>
      %broadcast_in_dim3A_273 = arith.constant 2 : i32
      %broadcast_in_dim3A_274 = vector.broadcast %broadcast_in_dim3A_273 : i32 to vector<16xi32>
      %gather3A_275 = tpu.vector_load_idx %arg11[%add3A_265, %broadcast_in_dim3A_274] : memref<512x16xf32, #tpu.memory_space<vmem>>[vector<16xi32>, vector<16xi32>], vector<16xf32>,
      %add3A_276 = arith.addf %add3A_272, %gather3A_275 : vector<16xf32>
      %broadcast_in_dim3A_277 = arith.constant 3 : i32
      %broadcast_in_dim3A_278 = vector.broadcast %broadcast_in_dim3A_277 : i32 to vector<16xi32>
      %gather3A_279 = tpu.vector_load_idx %arg11[%add3A_265, %broadcast_in_dim3A_278] : memref<512x16xf32, #tpu.memory_space<vmem>>[vector<16xi32>, vector<16xi32>], vector<16xf32>,
      %add3A_280 = arith.addf %add3A_276, %gather3A_279 : vector<16xf32>
      %broadcast_in_dim3A_281 = arith.constant 4 : i32
      %broadcast_in_dim3A_282 = vector.broadcast %broadcast_in_dim3A_281 : i32 to vector<16xi32>
      %gather3A_283 = tpu.vector_load_idx %arg11[%add3A_265, %broadcast_in_dim3A_282] : memref<512x16xf32, #tpu.memory_space<vmem>>[vector<16xi32>, vector<16xi32>], vector<16xf32>,
      %add3A_284 = arith.addf %add3A_280, %gather3A_283 : vector<16xf32>
      %broadcast_in_dim3A_285 = arith.constant 5 : i32
      %broadcast_in_dim3A_286 = vector.broadcast %broadcast_in_dim3A_285 : i32 to vector<16xi32>
      %gather3A_287 = tpu.vector_load_idx %arg11[%add3A_265, %broadcast_in_dim3A_286] : memref<512x16xf32, #tpu.memory_space<vmem>>[vector<16xi32>, vector<16xi32>], vector<16xf32>,
      %add3A_288 = arith.addf %add3A_284, %gather3A_287 : vector<16xf32>
      %broadcast_in_dim3A_289 = arith.constant 6 : i32
      %broadcast_in_dim3A_290 = vector.broadcast %broadcast_in_dim3A_289 : i32 to vector<16xi32>
      %gather3A_291 = tpu.vector_load_idx %arg11[%add3A_265, %broadcast_in_dim3A_290] : memref<512x16xf32, #tpu.memory_space<vmem>>[vector<16xi32>, vector<16xi32>], vector<16xf32>,
      %add3A_292 = arith.addf %add3A_288, %gather3A_291 : vector<16xf32>
      %broadcast_in_dim3A_293 = arith.constant 7 : i32
      %broadcast_in_dim3A_294 = vector.broadcast %broadcast_in_dim3A_293 : i32 to vector<16xi32>
      %gather3A_295 = tpu.vector_load_idx %arg11[%add3A_265, %broadcast_in_dim3A_294] : memref<512x16xf32, #tpu.memory_space<vmem>>[vector<16xi32>, vector<16xi32>], vector<16xf32>,
      %add3A_296 = arith.addf %add3A_292, %gather3A_295 : vector<16xf32>
      %broadcast_in_dim3A_297 = arith.constant 8 : i32
      %broadcast_in_dim3A_298 = vector.broadcast %broadcast_in_dim3A_297 : i32 to vector<16xi32>
      %gather3A_299 = tpu.vector_load_idx %arg11[%add3A_265, %broadcast_in_dim3A_298] : memref<512x16xf32, #tpu.memory_space<vmem>>[vector<16xi32>, vector<16xi32>], vector<16xf32>,
      %add3A_300 = arith.addf %add3A_296, %gather3A_299 : vector<16xf32>
      %broadcast_in_dim3A_301 = arith.constant 9 : i32
      %broadcast_in_dim3A_302 = vector.broadcast %broadcast_in_dim3A_301 : i32 to vector<16xi32>
      %gather3A_303 = tpu.vector_load_idx %arg11[%add3A_265, %broadcast_in_dim3A_302] : memref<512x16xf32, #tpu.memory_space<vmem>>[vector<16xi32>, vector<16xi32>], vector<16xf32>,
      %add3A_304 = arith.addf %add3A_300, %gather3A_303 : vector<16xf32>
      %broadcast_in_dim3A_305 = arith.constant 10 : i32
      %broadcast_in_dim3A_306 = vector.broadcast %broadcast_in_dim3A_305 : i32 to vector<16xi32>
      %gather3A_307 = tpu.vector_load_idx %arg11[%add3A_265, %broadcast_in_dim3A_306] : memref<512x16xf32, #tpu.memory_space<vmem>>[vector<16xi32>, vector<16xi32>], vector<16xf32>,
      %add3A_308 = arith.addf %add3A_304, %gather3A_307 : vector<16xf32>
      %broadcast_in_dim3A_309 = arith.constant 11 : i32
      %broadcast_in_dim3A_310 = vector.broadcast %broadcast_in_dim3A_309 : i32 to vector<16xi32>
      %gather3A_311 = tpu.vector_load_idx %arg11[%add3A_265, %broadcast_in_dim3A_310] : memref<512x16xf32, #tpu.memory_space<vmem>>[vector<16xi32>, vector<16xi32>], vector<16xf32>,
      %add3A_312 = arith.addf %add3A_308, %gather3A_311 : vector<16xf32>
      %broadcast_in_dim3A_313 = arith.constant 12 : i32
      %broadcast_in_dim3A_314 = vector.broadcast %broadcast_in_dim3A_313 : i32 to vector<16xi32>
      %gather3A_315 = tpu.vector_load_idx %arg11[%add3A_265, %broadcast_in_dim3A_314] : memref<512x16xf32, #tpu.memory_space<vmem>>[vector<16xi32>, vector<16xi32>], vector<16xf32>,
      %add3A_316 = arith.addf %add3A_312, %gather3A_315 : vector<16xf32>
      %broadcast_in_dim3A_317 = arith.constant 13 : i32
      %broadcast_in_dim3A_318 = vector.broadcast %broadcast_in_dim3A_317 : i32 to vector<16xi32>
      %gather3A_319 = tpu.vector_load_idx %arg11[%add3A_265, %broadcast_in_dim3A_318] : memref<512x16xf32, #tpu.memory_space<vmem>>[vector<16xi32>, vector<16xi32>], vector<16xf32>,
      %add3A_320 = arith.addf %add3A_316, %gather3A_319 : vector<16xf32>
      %broadcast_in_dim3A_321 = arith.constant 14 : i32
      %broadcast_in_dim3A_322 = vector.broadcast %broadcast_in_dim3A_321 : i32 to vector<16xi32>
      %gather3A_323 = tpu.vector_load_idx %arg11[%add3A_265, %broadcast_in_dim3A_322] : memref<512x16xf32, #tpu.memory_space<vmem>>[vector<16xi32>, vector<16xi32>], vector<16xf32>,
      %add3A_324 = arith.addf %add3A_320, %gather3A_323 : vector<16xf32>
      %broadcast_in_dim3A_325 = arith.constant 15 : i32
      %broadcast_in_dim3A_326 = vector.broadcast %broadcast_in_dim3A_325 : i32 to vector<16xi32>
      %gather3A_327 = tpu.vector_load_idx %arg11[%add3A_265, %broadcast_in_dim3A_326] : memref<512x16xf32, #tpu.memory_space<vmem>>[vector<16xi32>, vector<16xi32>], vector<16xf32>,
      %add3A_328 = arith.addf %add3A_324, %gather3A_327 : vector<16xf32>
      %add3A_329 = arith.addf %add3A_328, %gather3A : vector<16xf32>
      %swap3A = arith.index_cast %add3A_263 : i32 to index
      %swap3A_330 = tpu.vector_load %arg12[%swap3A] {strides = array<i32>} : memref<512xf32, #tpu.memory_space<vmem>>, vector<16xf32>,
      tpu.vector_store %arg12[%swap3A], %add3A_329 {strides = array<i32>} : memref<512xf32, #tpu.memory_space<vmem>>, vector<16xf32>,
    }
    %scan3A_258 = arith.constant 32 : i32
    "tpu.region"() ({
      %run_scoped3A = tpu.sem_alloc : memref<!tpu.dma_semaphore, #tpu.memory_space<semaphore_mem>>
      %dma_start3A_259 = tpu.memref_slice %arg8[%mul3A_2] : memref<16384xf32, #tpu.memory_space<hbm>> -> memref<512xf32, #tpu.memory_space<hbm>>
      %dma_start3A_260 = tpu.memref_slice %arg8[%mul3A_2] : memref<16384xf32, #tpu.memory_space<hbm>> -> memref<512xf32, #tpu.memory_space<hbm>>
      tpu.enqueue_dma source(%arg12 : memref<512xf32, #tpu.memory_space<vmem>>) target(%dma_start3A_260 : memref<512xf32, #tpu.memory_space<hbm>>) target_semaphore(%run_scoped3A : memref<!tpu.dma_semaphore, #tpu.memory_space<semaphore_mem>>)
      %dma_wait3A_261 = tpu.memref_slice %arg8[%mul3A_2] : memref<16384xf32, #tpu.memory_space<hbm>> -> memref<512xf32, #tpu.memory_space<hbm>>
      %dma_wait3A_262 = tpu.memref_slice %arg8[%mul3A_2] : memref<16384xf32, #tpu.memory_space<hbm>> -> memref<512xf32, #tpu.memory_space<hbm>>
      tpu.wait_dma2 semaphore(%run_scoped3A : memref<!tpu.dma_semaphore, #tpu.memory_space<semaphore_mem>>) src(%arg12 : memref<512xf32, #tpu.memory_space<vmem>>) dst(%dma_wait3A_262 : memref<512xf32, #tpu.memory_space<hbm>>)
      tpu.yield
    }) : () -> ()
    return
  }
}

</mosaic_0001>

<sc_bundles>
// kernel: kernel.3.cloned.1.call-start
scs
__scs_entry_jumppad:
0x0: {  	(pc) =	sbr.rel $0x88, $3  }
0x1: {  	(tag) =	ssettag $0x0;
	lr =	simm.s32 $0x1  }
0x2: {  	[smem:$0x3F9B] =	sst lr;
	_ =	strace $0xD0000000  }
0x3: {  	_ = 	snop  }
0x4: {  	_ = 	snop  }
0x5: {  	_ = 	snop  }
0x6: {  	_ = 	snop  }
0x7: {  	_ = 	snop  }
__scs_overlays_trampoline_lowered:
0x8: {  	[smem:$0x3FAA] =	sst s0  }
0x9: {  	[smem:$0x3FAB] =	sst s1  }
0xa: {  	[smem:$0x3FAC] =	sst s2  }
0xb: {  	[smem:$0x3FAD] =	sst s3  }
0xc: {  	[smem:$0x3FAE] =	sst s4  }
0xd: {  	[smem:$0x3FAF] =	sst s5  }
0xe: {  	[smem:$0x3FB0] =	sst s6  }
0xf: {  	[smem:$0x3FB1] =	sst s7  }
0x10: {  	[smem:$0x3FB2] =	sst s8  }
0x11: {  	[smem:$0x3FB3] =	sst s9;
	s0 =	simm.s32 @!p0 $0x0  }
0x12: {  	s1 =	sld [smem:$0x3F99];
	s0 =	simm.s32 @p0 $0x1  }
0x13: {  	[smem:$0x3FB4] =	sst s0;
	s0 =	simm.s32 @!p1 $0x0  }
0x14: {  	s2 =	sld [smem:$0x3F98];
	s0 =	simm.s32 @p1 $0x1  }
0x15: {  	[smem:$0x3FB5] =	sst s0;
	s0 =	simm.s32 @!p2 $0x0  }
0x16: {  	s3 =	sld [smem:$0x3FDB];
	s0 =	simm.s32 @p2 $0x1  }
0x17: {  	s4 =	simm.s32 $0x1BF5;
	[smem:$0x3FB7] =	sst s0  }
0x18: {  	s0 =	sld [smem:$0x3F9A];
	_ =	swait.ge [sflag:s4], $0x0  }
0x19: {  	s7 =	sld [smem:$0x3F9B]  }
0x1a: {  	s8 =	sadd.s32 $0xFFFFE003, lr  }
0x1b: {  	s9 =	sadd.s32 $0xFFFFFEF7, lr;
	s5 =	simm.s32 $0xFFFFFFFF;
	p2 =	slt.u32 s8, $0xFFFFF086  }
0x1c: {  	p1 =	slt.u32 s9, $0xF7A;
	s5 =	simm.s32 @!p2 $0x0  }
0x1d: {  	s5 =	simm.s32 @p1 $0x1;
	p0 =	seq.s32 s7, s2  }
0x1e: {  	s7 =	smul.u32 @!p0 $0xF7A, s2;
	p2 =	seq.s32 @!p0 s5, $0x0  }
0x1f: {  	s9 =	smul.u32 $0xF7A, s1;
	s8 =	simm.s32 @!p0 $0x1BF5;
	p2 =	por !p2, p0  }
0x20: {  	[sflag:s8] =	ssyncset.s32 @!p0 $0xFFFFF086;
	s6 =	sadd.s32 @!p0 s3, s7;
	s7 =	simm.s32 @!p0 $0x108  }
0x21: {  	s3 =	sadd.s32 s3, s9;
	s6 =	sadd.s32 @!p0 $0x88, s6;
	s7 =	simm.s32 @p2 $0x1082  }
0x22: {  	[simem:s7], [sflag:s8] =	dma.local @!p0 [hbm:s6], $0xF7A  }
0x23: {  	s9 =	sor.u32 $0xD0000000, s2;
	s6 =	simm.s32 $0x108;
	_ =	swait.ge @!p0 [sflag:s8], $0x0  }
0x24: {  	s3 =	sadd.s32 $0x88, s3;
	s6 =	simm.s32 @!p1 $0x1082;
	[sflag:s4] =	ssyncset.s32 $0xFFFFF086  }
0x25: {  	[simem:s6], [sflag:s4] =	dma.local [hbm:s3], $0xF7A  }
0x26: {  	[smem:$0x3F9B] =	sst s1;
	(tag) =	ssettag s2;
	_ =	strace s9  }
0x27: {  	s1 =	sld [smem:$0x3FAB]  }
0x28: {  	s2 =	sld [smem:$0x3FAC]  }
0x29: {  	s4 =	sld [smem:$0x3FAE]  }
0x2a: {  	p0 =	seq.s32 s5, $0x0;
	s5 =	sld [smem:$0x3FAF]  }
0x2b: {  	s6 =	sld [smem:$0x3FB0]  }
0x2c: {  	s7 =	sld [smem:$0x3FB1]  }
0x2d: {  	s3 =	simm.s32 $0x108;
	s8 =	sld [smem:$0x3FB2]  }
0x2e: {  	s3 =	simm.s32 @!p0 $0x1082;
	s9 =	sld [smem:$0x3FB3]  }
0x2f: {  	lr =	sadd.s32 s0, s3;
	s0 =	sld [smem:$0x3FAA]  }
0x30: {  	s3 =	sld [smem:$0x3FAD]  }
0x31: {  	[smem:$0x3FB6] =	sst s10  }
0x32: {  	s10 =	sld [smem:$0x3FB4];
	_ =	sdelay $0x3  }
0x33: {  	p0 =	seq.s32 s10, $0x1;
	s10 =	sld [smem:$0x3FB6];
	_ =	sdelay $0x3  }
0x34: {  	[smem:$0x3FB6] =	sst s10  }
0x35: {  	s10 =	sld [smem:$0x3FB5];
	_ =	sdelay $0x3  }
0x36: {  	p1 =	seq.s32 s10, $0x1;
	s10 =	sld [smem:$0x3FB6];
	_ =	sdelay $0x3  }
0x37: {  	[smem:$0x3FB6] =	sst s10  }
0x38: {  	s10 =	sld [smem:$0x3FB7]  }
0x39: {  	_ = 	snop;
	(pc) =	sbr.ind lr, $3  }
0x3a: {  	_ = 	snop  }
0x3b: {  	_ = 	snop  }
0x3c: {  	p2 =	seq.s32 s10, $0x1;
	s10 =	sld [smem:$0x3FB6]  }
0x3d: {  	_ =	shalt  }
0x3e: {  	_ =	shalt  }
0x3f: {  	_ =	shalt  }
0x40: {  	_ =	shalt  }
0x41: {  	_ =	shalt  }
0x42: {  	_ =	shalt  }
0x43: {  	_ =	shalt  }
0x44: {  	_ =	shalt  }
0x45: {  	_ =	shalt  }
0x46: {  	_ =	shalt  }
0x47: {  	_ =	shalt  }
0x48: {  	_ =	shalt  }
0x49: {  	_ =	shalt  }
0x4a: {  	_ =	shalt  }
0x4b: {  	_ =	shalt  }
0x4c: {  	_ =	shalt  }
0x4d: {  	_ =	shalt  }
0x4e: {  	_ =	shalt  }
0x4f: {  	_ =	shalt  }
0x50: {  	_ =	shalt  }
0x51: {  	_ =	shalt  }
0x52: {  	_ =	shalt  }
0x53: {  	_ =	shalt  }
0x54: {  	_ =	shalt  }
0x55: {  	_ =	shalt  }
0x56: {  	_ =	shalt  }
0x57: {  	_ =	shalt  }
0x58: {  	_ =	shalt  }
0x59: {  	_ =	shalt  }
0x5a: {  	_ =	shalt  }
0x5b: {  	_ =	shalt  }
0x5c: {  	_ =	shalt  }
0x5d: {  	_ =	shalt  }
0x5e: {  	_ =	shalt  }
0x5f: {  	_ =	shalt  }
0x60: {  	_ =	shalt  }
0x61: {  	_ =	shalt  }
0x62: {  	_ =	shalt  }
0x63: {  	_ =	shalt  }
0x64: {  	_ =	shalt  }
0x65: {  	_ =	shalt  }
0x66: {  	_ =	shalt  }
0x67: {  	_ =	shalt  }
0x68: {  	_ =	shalt  }
0x69: {  	_ =	shalt  }
0x6a: {  	_ =	shalt  }
0x6b: {  	_ =	shalt  }
0x6c: {  	_ =	shalt  }
0x6d: {  	_ =	shalt  }
0x6e: {  	_ =	shalt  }
0x6f: {  	_ =	shalt  }
0x70: {  	_ =	shalt  }
0x71: {  	_ =	shalt  }
0x72: {  	_ =	shalt  }
0x73: {  	_ =	shalt  }
0x74: {  	_ =	shalt  }
0x75: {  	_ =	shalt  }
0x76: {  	_ =	shalt  }
0x77: {  	_ =	shalt  }
0x78: {  	_ =	shalt  }
0x79: {  	_ =	shalt  }
0x7a: {  	_ =	shalt  }
0x7b: {  	_ =	shalt  }
0x7c: {  	_ =	shalt  }
0x7d: {  	_ =	shalt  }
0x7e: {  	_ =	shalt  }
0x7f: {  	_ =	shalt  }
0x80: {  	_ =	shalt  }
0x81: {  	_ =	shalt  }
0x82: {  	_ =	shalt  }
0x83: {  	_ =	shalt  }
0x84: {  	_ =	shalt  }
0x85: {  	_ =	shalt  }
0x86: {  	_ =	shalt  }
0x87: {  	_ =	shalt  }
.Lfunc_end0:
.L_simem_size_0:
called_computation_lowered:
.L_overlay_start_0:
0x88: {  	s2 =	sld [smem:$0x3FD9]  }
0x89: {  	s3 =	sld [smem:$0x3FFE];
	_ =	sdelay $0x1  }
0x8a: {  	s1 =	srdreg.scid  }
0x8b: {  	s0 =	sand.u32 $0x1, s1  }
0x8c: {  	s18 =	sshll.u32 s0, $0xA;
	s2 =	sadd.s32 s3, s2  }
0x8d: {  	s2 =	sadd.s32 s2, s18  }
0x8e: {  	[smem:$0x3FC2] =	sst s2  }
0x8f: {  	_ = 	snop  }
0x90: {  	s2 =	sld [smem:$0x3FC9]  }
0x91: {  	s19 =	sld [smem:$0x3FC8]  }
0x92: {  	s4 =	sld [smem:$0x3FC7]  }
0x93: {  	s5 =	sld [smem:$0x3FC6]  }
0x94: {  	s6 =	sld [smem:$0x3FC5]  }
0x95: {  	s7 =	sld [smem:$0x3FC4]  }
0x96: {  	s8 =	sld [smem:$0x3FD0];
	(tm) =	ssettm $0x1  }
0x97: {  	s9 =	sld [smem:$0x3FFB];
	_ =	sdelay $0x3  }
0x98: {  	_ =	strace s9  }
0x99: {  	s9 =	sld [smem:$0x3FFC];
	_ =	sdelay $0x3  }
0x9a: {  	_ =	strace s9  }
0x9b: {  	s9 =	sld [smem:$0x3FFD];
	_ =	sdelay $0x3  }
0x9c: {  	_ =	strace s9  }
0x9d: {  	_ =	strace $0x8FFFFFFF  }
0x9e: {  	s20 =	sld [smem:$0x3FDB];
	_ =	sdelay $0x1  }
0x9f: {  	s10 =	simm.s32 $_scs_section_size  }
0xa0: {  	s11 =	simm.s32 $_size__tile_overlayer_lowered;
	s12 =	simm.s32 $_tile_overlayer_lowered  }
0xa1: {  	s23 =	simm.s32 $0x1BFF;
	s22 =	sshll.u32 s12, $0x1;
	s9 =	sadd.s32 s10, s20  }
0xa2: {  	s13 =	simm.s32 $0x0;
	s21 =	sshll.u32 s11, $0x1;
	s11 =	sadd.s32 s22, s9  }
0xa3: {  	[timem:s13], [sflag:s23] =	dma.local [hbm:s11], s21  }
0xa4: {  	_ =	swait.ge [sflag:s23], s21  }
0xa5: {  	s10 =	ssub.s32 $0x0, s21;
	[sflag:s23] =	ssyncset.done $0x0  }
0xa6: {  	[sflag:s23] =	ssyncadd.s32 s10;
	_ =	sdelay $0x1  }
0xa7: {  	s24 =	simm.s32 $0x1B8B  }
0xa8: {  	_ =	swait.ge [sflag:s24], $0x1  }
0xa9: {  	[sflag:s24] =	ssyncset.done $0x0  }
0xaa: {  	s25 =	simm.s32 $0x1B8E;
	[sflag:s24] =	ssyncadd.s32 $0xFFFFFFFF  }
0xab: {  	s26 =	simm.s32 $execute0_lowered;
	[smem:$0x3FD2] =	sst s25  }
0xac: {  	s10 =	sshll.u32 s26, $0x1;
	_ =	strace $0x80000046;
	[dreg:$0x1] =	wrdreg $0xFFFFFFFF  }
0xad: {  	s28 =	simm.s32 $_size_execute0_lowered;
	s9 =	sadd.s32 s9, s10;
	[dreg:$0x0] =	wrdreg $0x0  }
0xae: {  	s10 =	sshll.u32 s28, $0x1;
	[dreg:$0x2] =	wrdreg s9  }
0xaf: {  	[dreg:$0x3] =	wrdreg s10  }
0xb0: {  	[dreg:$0x4] =	wrdreg $0xC0  }
0xb1: {  	_ =	task [dreg:s13], $0x5FFFF  }
0xb2: {  	[dreg:$0x1] =	wrdreg $0xFFFFFFFF  }
0xb3: {  	[dreg:$0x0] =	wrdreg $0x60  }
0xb4: {  	[dreg:$0x2] =	wrdreg s2  }
0xb5: {  	[dreg:$0x3] =	wrdreg s19  }
0xb6: {  	[dreg:$0x4] =	wrdreg s4  }
0xb7: {  	[dreg:$0x5] =	wrdreg s5  }
0xb8: {  	[dreg:$0x6] =	wrdreg s6  }
0xb9: {  	[dreg:$0x7] =	wrdreg s7  }
0xba: {  	[dreg:$0x8] =	wrdreg s8  }
0xbb: {  	[dreg:$0x9] =	wrdreg $0x9  }
0xbc: {  	_ =	task.clear_ibuf [dreg:s13], $0xAFFFF;
	_ =	strace $0x90000046  }
0xbd: {  	s29 =	simm.s32 $0x9;
	_ =	strace $0x80000048  }
0xbe: {  	_ =	swait.ge [sflag:s29], $0x1  }
0xbf: {  	[sflag:s29] =	ssyncadd.s32 $0xFFFFFFFF  }
0xc0: {  	_ =	strace $0x90000048  }
0xc1: {  	_ =	sfence  }
0xc2: {  	s30 =	sld [smem:$0x0];
	_ =	sdelay $0x2  }
0xc3: {  	s31 =	sshll.u32 s1, $0xD;
	s1 =	sshrl.u32 s1, $0x2  }
0xc4: {  	s3 =	sand.u32 $0x4000, s31;
	s1 =	sadd.s32 s1, s30  }
0xc5: {  	s0 =	sor.u32 s3, s0;
	s1 =	sshll.u32 s1, $0x11  }
0xc6: {  	s0 =	sor.u32 s1, s0  }
0xc7: {  	s0 =	sadd.s32 $0x8F2B, s0  }
0xc8: {  	[sflag:s0] =	ssyncadd.remote.s32 $0x1  }
0xc9: {  	_ =	sfence.sel $0xFFFF  }
0xca: {  	[dreg:$0x0] =	wrdreg $0xFFFFFFFF;
	(pc) =	sbr.abs _section_cstart, $3  }
0xcb: {  	[dreg:$0x1] =	wrdreg $0xFFFFFFFF  }
0xcc: {  	_ =	task.clear_ibuf [dreg:s13], $0x2FFFF;
	_ =	strace $0x9FFFFFFF  }
0xcd: {  	(tm) =	ssettm $0x7FFFFFFF  }
tec
execute0_lowered:
.L_overlay_start_1:
0x0: {  	(tag) =	ssettag $0x1  }
0x1: {  	s0 =	rddreg [dreg:$0x0]  }
0x2: {  	s3 =	rddreg [dreg:$0x1]  }
0x3: {  	s1 =	rddreg [dreg:$0x2]  }
0x4: {  	s2 =	rddreg [dreg:$0x3]  }
0x5: {  	s4 =	rddreg [dreg:$0x6]  }
0x6: {  	s6 =	simm.s32 $0x0;
	s5 =	srdreg.scid;
	s8 =	stileid.u32  }
0x7: {  	s14 =	simm.s32 $0x3;
	s15 =	simm.s32 $0x4;
	s16 =	simm.s32 $0x40  }
0x8: {  	s17 =	simm.s32 $0x10780;
	s18 =	simm.s32 $0x16780;
	s19 =	simm.s32 $0x12780  }
0x9: {  	s21 =	simm.s32 $0x18780;
	s23 =	simm.s32 $0x14780;
	s25 =	simm.s32 $0x1A780  }
0xa: {  	s26 =	simm.s32 $0x1;
	s28 =	simm.s32 $0x2;
	s29 =	simm.s32 $0x5  }
0xb: {  	s30 =	simm.s32 $0x8;
	s20 =	simm.s32 $0x7;
	s22 =	simm.s32 $0xA  }
0xc: {  	s31 =	simm.s32 $0x400;
	s11 =	simm.s32 $0x0;
	s5 =	sand.u32 $0x1, s5  }
0xd: {  	s8 =	sshll.u32 s8, $0x7;
	s7 =	ssub.s32 $0x2, s5;
	s5 =	sshll.u32 s5, $0x6  }
0xe: {  	[smem:$0x7FF] =	sst s6;
	s9 =	sshrl.u32 s7, $0x1;
	s5 =	sor.u32 s5, s8  }
0xf: {  	v0 =	vlaneseq.u32;
	_ =	strace $0x80000047;
	s10 =	ssub.s32 s7, s9;
	s7 =	sadd.s32 s0, s5  }
0x10: {  	v0 =	vmul.u32 $0x80, v0;
	s8 =	sadd.s32 s3, s5;
	s9 =	sadd.s32 s4, s5;
	s5 =	simm.s32 $0x6  }
0x11: {  	s3 =	simm.s32 $0x9;
	s4 =	simm.s32 $0xB;
	s10 =	smax.u32 s10, $0x1  }
.LBB2_1:
0x12: {  	s0 =	rddreg [dreg:$0x4];
	s12 =	simm.s32 $0x10600  }
0x13: {  	[tilespmem:s12], [sflag:$0x1] =	stream.linear.gather [hbm4b:s0+s6], $0x100, $0x38;
	[tilespmem:$0x1C780] =	vst v63  }
0x14: {  	s24 =	rddreg [dreg:$0x5];
	s12 =	simm.s32 $0x10700  }
0x15: {  	[tilespmem:s12], [sflag:$0x2] =	stream.linear.gather [hbm4b:s24+s6], $0x80, $0x38;
	[tilespmem:$0x1C780] =	vst v63  }
0x16: {  	_ = 	snop  }
0x17: {  	[tilespmem:s6], [sflag:$0x3] =	stream.linear.gather [hbm4b:s7+s6], $0x200, $0x38;
	[tilespmem:$0x1C780] =	vst v63  }
0x18: {  	s13 =	simm.s32 $0x200  }
0x19: {  	[tilespmem:s13], [sflag:$0x4] =	stream.linear.gather [hbm4b:s8+s6], $0x200, $0x38;
	[tilespmem:$0x1C780] =	vst v63  }
0x1a: {  	_ =	swait.ge [sflag:s14], $0x200  }
0x1b: {  	[sflag:s14] =	ssyncset.done $0x0  }
0x1c: {  	[sflag:s14] =	ssyncadd.s32 $0xFFFFFE00  }
0x1d: {  	_ =	swait.ge [sflag:s15], $0x200  }
0x1e: {  	[sflag:s15] =	ssyncset.done $0x0  }
0x1f: {  	[sflag:s15] =	ssyncadd.s32 $0xFFFFFE00  }
0x20: {  	[tilespmem:s17], [sflag:$0x5] =	stream.indirect.gather [hbm4b:s1+s16], $0x80, s6, s16, $0xb8;
	[tilespmem:$0x1C780] =	vst v63  }
0x21: {  	_ = 	snop  }
0x22: {  	[tilespmem:s18], [sflag:$0x8] =	stream.indirect.gather [hbm4b:s2+s16], $0x80, s13, s16, $0xb8;
	[tilespmem:$0x1C780] =	vst v63  }
0x23: {  	_ = 	snop  }
0x24: {  	[tilespmem:s19], [sflag:$0x6] =	stream.indirect.gather [hbm4b:s1+s16], $0x80, s16, s16, $0xb8;
	[tilespmem:$0x1C780] =	vst v63  }
0x25: {  	s24 =	simm.s32 $0x240  }
0x26: {  	[tilespmem:s21], [sflag:$0x9] =	stream.indirect.gather [hbm4b:s2+s16], $0x80, s24, s16, $0xb8;
	[tilespmem:$0x1C780] =	vst v63  }
0x27: {  	s13 =	simm.s32 $0x80  }
0x28: {  	[tilespmem:s23], [sflag:$0x7] =	stream.indirect.gather [hbm4b:s1+s16], $0x80, s13, s16, $0xb8;
	[tilespmem:$0x1C780] =	vst v63  }
0x29: {  	s24 =	simm.s32 $0x280  }
0x2a: {  	[tilespmem:s25], [sflag:$0xA] =	stream.indirect.gather [hbm4b:s2+s16], $0x80, s24, s16, $0xb8;
	[tilespmem:$0x1C780] =	vst v63  }
0x2b: {  	_ =	swait.ge [sflag:s26], $0x100  }
0x2c: {  	[sflag:s26] =	ssyncset.done $0x0  }
0x2d: {  	[sflag:s26] =	ssyncadd.s32 $0xFFFFFF00  }
0x2e: {  	_ =	swait.ge [sflag:s28], $0x80  }
0x2f: {  	[sflag:s28] =	ssyncset.done $0x0  }
0x30: {  	[sflag:s28] =	ssyncadd.s32 $0xFFFFFF80  }
0x31: {  	v17 =	vld [tilespmem:$0x10600]  }
0x32: {  	v16 =	vld [tilespmem:$0x10610]  }
0x33: {  	v15 =	vld [tilespmem:$0x10620]  }
0x34: {  	v14 =	vld [tilespmem:$0x10630]  }
0x35: {  	v13 =	vld [tilespmem:$0x10640]  }
0x36: {  	v12 =	vld [tilespmem:$0x10650]  }
0x37: {  	v11 =	vld [tilespmem:$0x10660]  }
0x38: {  	v10 =	vld [tilespmem:$0x10670]  }
0x39: {  	v9 =	vld [tilespmem:$0x10680]  }
0x3a: {  	v8 =	vld [tilespmem:$0x10690]  }
0x3b: {  	v7 =	vld [tilespmem:$0x106A0]  }
0x3c: {  	v6 =	vld [tilespmem:$0x106B0]  }
0x3d: {  	v5 =	vld [tilespmem:$0x106C0]  }
0x3e: {  	v4 =	vld [tilespmem:$0x106D0]  }
0x3f: {  	v3 =	vld [tilespmem:$0x106E0]  }
0x40: {  	v2 =	vld [tilespmem:$0x106F0]  }
0x41: {  	v1 =	vld.msk [tilespmem:s12+$0x0], $0xffff;
	_ =	swait.ge [sflag:s29], $0x2000  }
0x42: {  	[sflag:s29] =	ssyncset.done $0x0  }
0x43: {  	[sflag:s29] =	ssyncadd.s32 $0xFFFFE000  }
0x44: {  	_ =	swait.ge [sflag:s30], $0x2000  }
0x45: {  	[sflag:s30] =	ssyncset.done $0x0  }
0x46: {  	s0 =	simm.s32 $0x0;
	[sflag:s30] =	ssyncadd.s32 $0xFFFFE000  }
0x47: {  	v18 =	vld [tilespmem:s0+$0x10780]  }
0x48: {  	v19 =	vld [tilespmem:s0+$0x10790];
	_ =	sdelay $0x1  }
0x49: {  	v20 =	vld [tilespmem:s0+$0x107A0];
	_ =	sdelay $0x1  }
0x4a: {  	v21 =	vld [tilespmem:s0+$0x107B0]  }
0x4b: {  	v18 =	vmul.f32 v18, v17;
	v19 =	vmul.f32 v19, v16  }
0x4c: {  	v22 =	vld [tilespmem:s0+$0x107C0]  }
0x4d: {  	v18 =	vadd.f32 v19, v18;
	v19 =	vmul.f32 v20, v15  }
0x4e: {  	v20 =	vld [tilespmem:s0+$0x107D0]  }
0x4f: {  	v18 =	vadd.f32 v19, v18;
	v19 =	vmul.f32 v21, v14  }
0x50: {  	v21 =	vld [tilespmem:s0+$0x107E0]  }
0x51: {  	v18 =	vadd.f32 v19, v18;
	v19 =	vmul.f32 v22, v13  }
0x52: {  	v22 =	vld [tilespmem:s0+$0x107F0]  }
0x53: {  	s24 =	simm.s32 $0x80;
	v23 =	vld [tilespmem:s0+$0x16780];
	v18 =	vadd.f32 v19, v18;
	v19 =	vmul.f32 v20, v12  }
0x54: {  	v24 =	vld [tilespmem:s24+$0x10780]  }
0x55: {  	v20 =	vld [tilespmem:s0+$0x16790];
	v18 =	vadd.f32 v19, v18;
	v19 =	vmul.f32 v21, v11  }
0x56: {  	v21 =	vld [tilespmem:s24+$0x10790]  }
0x57: {  	v18 =	vadd.f32 v19, v18;
	v19 =	vmul.f32 v22, v10;
	v22 =	vld [tilespmem:s0+$0x167A0]  }
0x58: {  	v25 =	vld [tilespmem:s24+$0x107A0]  }
0x59: {  	v18 =	vadd.f32 v19, v18;
	v19 =	vmul.f32 v23, v9;
	v23 =	vld [tilespmem:s0+$0x167B0]  }
0x5a: {  	v26 =	vld [tilespmem:s24+$0x107B0];
	v24 =	vmul.f32 v24, v17  }
0x5b: {  	v27 =	vld [tilespmem:s24+$0x107C0];
	v20 =	vmul.f32 v20, v8;
	v21 =	vmul.f32 v21, v16;
	v18 =	vadd.f32 v19, v18  }
0x5c: {  	v19 =	vld [tilespmem:s0+$0x167C0];
	v22 =	vmul.f32 v22, v7  }
0x5d: {  	v21 =	vadd.f32 v21, v24;
	v24 =	vmul.f32 v25, v15;
	v25 =	vld [tilespmem:s24+$0x107D0];
	v18 =	vadd.f32 v20, v18  }
0x5e: {  	v20 =	vld [tilespmem:s0+$0x167D0];
	v23 =	vmul.f32 v23, v6  }
0x5f: {  	v21 =	vadd.f32 v24, v21;
	v24 =	vmul.f32 v26, v14;
	v26 =	vld [tilespmem:s0+$0x167E0];
	v18 =	vadd.f32 v22, v18  }
0x60: {  	v28 =	vld [tilespmem:s24+$0x107E0];
	v27 =	vmul.f32 v27, v13  }
0x61: {  	v22 =	vmul.f32 v19, v5;
	v24 =	vadd.f32 v24, v21;
	v21 =	vld [tilespmem:s0+$0x167F0];
	v23 =	vadd.f32 v23, v18  }
0x62: {  	v19 =	vld [tilespmem:s24+$0x107F0];
	v25 =	vmul.f32 v25, v12  }
0x63: {  	v18 =	vld [tilespmem:s24+$0x16790];
	v29 =	vmul.f32 v20, v4;
	v24 =	vadd.f32 v27, v24;
	v27 =	vadd.f32 v22, v23  }
0x64: {  	s12 =	simm.s32 $0x100;
	v22 =	vld [tilespmem:s24+$0x16780];
	v23 =	vmul.f32 v26, v3  }
0x65: {  	s13 =	simm.s32 $0x600;
	v20 =	vld [tilespmem:s12+$0x10780];
	v24 =	vadd.f32 v25, v24;
	v25 =	vmul.f32 v28, v11;
	v26 =	vadd.f32 v29, v27  }
.LBB2_2:
0x66: {  	p0 =	sne.s32 s13, $0x7E00;
	v27 =	vld [tilespmem:s12+$0x10790];
	v21 =	vmul.f32 v21, v2  }
0x67: {  	v24 =	vadd.f32 v25, v24;
	v19 =	vmul.f32 v19, v10;
	v25 =	vld [tilespmem:s24+$0x167A0];
	v23 =	vadd.f32 v23, v26  }
0x68: {  	v26 =	vld [tilespmem:s12+$0x107A0]  }
0x69: {  	v19 =	vadd.f32 v19, v24;
	v22 =	vmul.f32 v22, v9;
	v24 =	vld [tilespmem:s24+$0x167B0];
	v21 =	vadd.f32 v21, v23  }
0x6a: {  	v18 =	vmul.f32 v18, v8;
	v23 =	vld [tilespmem:s12+$0x107B0]  }
0x6b: {  	v20 =	vmul.f32 v20, v17;
	v27 =	vmul.f32 v27, v16;
	v19 =	vadd.f32 v22, v19;
	v22 =	vld [tilespmem:s24+$0x167C0];
	[tilespmem:s0+$0x400] =	vst v21;
	s0 =	smov.u32 s24;
	s24 =	smov.u32 s12  }
0x6c: {  	v21 =	vld [tilespmem:s24+$0x107C0];
	v25 =	vmul.f32 v25, v7  }
0x6d: {  	v20 =	vadd.f32 v27, v20;
	v26 =	vmul.f32 v26, v15;
	v18 =	vadd.f32 v18, v19;
	v27 =	vld [tilespmem:s0+$0x167D0]  }
0x6e: {  	v28 =	vld [tilespmem:s24+$0x107D0];
	v19 =	vmul.f32 v24, v6  }
0x6f: {  	v20 =	vadd.f32 v26, v20;
	v23 =	vmul.f32 v23, v14;
	v18 =	vadd.f32 v25, v18;
	v24 =	vld [tilespmem:s0+$0x167E0]  }
0x70: {  	v25 =	vld [tilespmem:s24+$0x107E0];
	v22 =	vmul.f32 v22, v5  }
.Ltmp0:
0x71: {  	v20 =	vadd.f32 v23, v20;
	v23 =	vmul.f32 v21, v13;
	v26 =	vadd.f32 v19, v18;
	v21 =	vld [tilespmem:s0+$0x167F0];
	(pc) =	sbr.rel @p0 .LBB2_2-.Ltmp0, $4  }
0x72: {  	v19 =	vld [tilespmem:s24+$0x107F0];
	v27 =	vmul.f32 v27, v4  }
0x73: {  	v29 =	vadd.f32 v23, v20;
	v28 =	vmul.f32 v28, v12;
	v18 =	vld [tilespmem:s24+$0x16790];
	v26 =	vadd.f32 v22, v26  }
0x74: {  	s12 =	sshra.s32 s13, $0x2;
	v22 =	vld [tilespmem:s24+$0x16780];
	v23 =	vmul.f32 v24, v3  }
0x75: {  	s13 =	sadd.s32 $0x200, s13;
	v20 =	vld [tilespmem:s12+$0x10780];
	v24 =	vadd.f32 v28, v29;
	v25 =	vmul.f32 v25, v11;
	v26 =	vadd.f32 v27, v26  }
0x76: {  	v27 =	vld [tilespmem:s12+$0x10790]  }
0x77: {  	v28 =	vld [tilespmem:s24+$0x167A0];
	v21 =	vmul.f32 v21, v2;
	v23 =	vadd.f32 v23, v26  }
0x78: {  	v26 =	vld [tilespmem:s12+$0x107A0]  }
0x79: {  	v29 =	vld [tilespmem:s24+$0x167B0];
	v24 =	vadd.f32 v25, v24;
	v19 =	vmul.f32 v19, v10;
	v21 =	vadd.f32 v21, v23  }
0x7a: {  	v23 =	vld [tilespmem:s12+$0x107B0];
	v22 =	vmul.f32 v22, v9  }
0x7b: {  	v25 =	vld [tilespmem:s24+$0x167C0];
	v19 =	vadd.f32 v19, v24;
	v20 =	vmul.f32 v20, v17;
	v24 =	vmul.f32 v27, v16;
	[tilespmem:s0+$0x400] =	vst v21  }
0x7c: {  	v18 =	vmul.f32 v18, v8;
	v21 =	vld [tilespmem:s12+$0x107C0]  }
0x7d: {  	v19 =	vadd.f32 v22, v19;
	v22 =	vmul.f32 v26, v15;
	v20 =	vadd.f32 v24, v20  }
0x7e: {  	v26 =	vld [tilespmem:s12+$0x107D0];
	v24 =	vmul.f32 v28, v7  }
0x7f: {  	v18 =	vadd.f32 v18, v19;
	v19 =	vld [tilespmem:s24+$0x167D0];
	v20 =	vadd.f32 v22, v20;
	v22 =	vmul.f32 v23, v14  }
0x80: {  	v27 =	vld [tilespmem:s12+$0x107E0];
	v23 =	vmul.f32 v29, v6  }
0x81: {  	v18 =	vadd.f32 v24, v18;
	v24 =	vld [tilespmem:s24+$0x167E0];
	v20 =	vadd.f32 v22, v20;
	v21 =	vmul.f32 v21, v13  }
0x82: {  	v22 =	vmul.f32 v25, v5;
	v25 =	vld [tilespmem:s12+$0x107F0]  }
0x83: {  	v18 =	vadd.f32 v23, v18;
	v23 =	vld [tilespmem:s24+$0x167F0];
	v20 =	vadd.f32 v21, v20;
	v21 =	vmul.f32 v26, v12  }
0x84: {  	v19 =	vmul.f32 v19, v4;
	v26 =	vld [tilespmem:s12+$0x16780]  }
0x85: {  	v18 =	vadd.f32 v22, v18;
	v20 =	vadd.f32 v21, v20;
	v21 =	vmul.f32 v27, v11  }
0x86: {  	v22 =	vld [tilespmem:s12+$0x16790];
	v24 =	vmul.f32 v24, v3  }
0x87: {  	v18 =	vadd.f32 v19, v18;
	v19 =	vadd.f32 v21, v20;
	v20 =	vmul.f32 v25, v10  }
0x88: {  	v21 =	vmul.f32 v23, v2;
	v23 =	vld [tilespmem:s12+$0x167A0]  }
0x89: {  	v18 =	vadd.f32 v24, v18;
	v19 =	vadd.f32 v20, v19;
	v20 =	vmul.f32 v26, v9  }
0x8a: {  	v24 =	vld [tilespmem:s12+$0x167B0]  }
0x8b: {  	v18 =	vadd.f32 v21, v18;
	v21 =	vmul.f32 v22, v8;
	v19 =	vadd.f32 v20, v19  }
0x8c: {  	v20 =	vld [tilespmem:s12+$0x167C0]  }
0x8d: {  	[tilespmem:s24+$0x400] =	vst v18;
	v18 =	vmul.f32 v23, v7;
	v19 =	vadd.f32 v21, v19  }
0x8e: {  	v21 =	vld [tilespmem:s12+$0x167D0]  }
0x8f: {  	v22 =	vmul.f32 v24, v6;
	v18 =	vadd.f32 v18, v19  }
0x90: {  	v19 =	vld [tilespmem:s12+$0x167E0]  }
0x91: {  	v20 =	vmul.f32 v20, v5;
	v18 =	vadd.f32 v22, v18  }
0x92: {  	v22 =	vld [tilespmem:s12+$0x167F0]  }
0x93: {  	v21 =	vmul.f32 v21, v4;
	v18 =	vadd.f32 v20, v18;
	_ =	sdelay $0x1  }
0x94: {  	v19 =	vmul.f32 v19, v3;
	v18 =	vadd.f32 v21, v18;
	_ =	sdelay $0x1  }
0x95: {  	v20 =	vmul.f32 v22, v2;
	v18 =	vadd.f32 v19, v18;
	_ =	sdelay $0x1  }
0x96: {  	v18 =	vadd.f32 v20, v18;
	_ =	sdelay $0x1  }
0x97: {  	s13 =	simm.s32 $0xC0;
	[tilespmem:s12+$0x400] =	vst v18  }
0x98: {  	[tilespmem:s17], [sflag:$0x5] =	stream.indirect.gather [hbm4b:s1+s16], $0x80, s13, s16, $0xb8;
	[tilespmem:$0x1C780] =	vst v63  }
0x99: {  	s24 =	simm.s32 $0x2C0  }
0x9a: {  	[tilespmem:s18], [sflag:$0x8] =	stream.indirect.gather [hbm4b:s2+s16], $0x80, s24, s16, $0xb8;
	[tilespmem:$0x1C780] =	vst v63  }
0x9b: {  	_ =	swait.ge [sflag:s5], $0x2000  }
0x9c: {  	[sflag:s5] =	ssyncset.done $0x0  }
0x9d: {  	[sflag:s5] =	ssyncadd.s32 $0xFFFFE000  }
0x9e: {  	_ =	swait.ge [sflag:s3], $0x2000  }
0x9f: {  	[sflag:s3] =	ssyncset.done $0x0  }
0xa0: {  	s0 =	simm.s32 $0x0;
	[sflag:s3] =	ssyncadd.s32 $0xFFFFE000  }
0xa1: {  	v18 =	vld [tilespmem:s0+$0x12780]  }
0xa2: {  	v19 =	vld [tilespmem:s0+$0x12790];
	_ =	sdelay $0x1  }
0xa3: {  	v20 =	vld [tilespmem:s0+$0x127A0];
	_ =	sdelay $0x1  }
0xa4: {  	v21 =	vld [tilespmem:s0+$0x127B0]  }
0xa5: {  	v18 =	vmul.f32 v18, v17;
	v19 =	vmul.f32 v19, v16  }
0xa6: {  	v22 =	vld [tilespmem:s0+$0x127C0]  }
0xa7: {  	v18 =	vadd.f32 v19, v18;
	v19 =	vmul.f32 v20, v15  }
0xa8: {  	v20 =	vld [tilespmem:s0+$0x127D0]  }
0xa9: {  	v18 =	vadd.f32 v19, v18;
	v19 =	vmul.f32 v21, v14  }
0xaa: {  	v21 =	vld [tilespmem:s0+$0x127E0]  }
0xab: {  	v18 =	vadd.f32 v19, v18;
	v19 =	vmul.f32 v22, v13  }
0xac: {  	v22 =	vld [tilespmem:s0+$0x127F0]  }
0xad: {  	s24 =	simm.s32 $0x80;
	v23 =	vld [tilespmem:s0+$0x18780];
	v18 =	vadd.f32 v19, v18;
	v19 =	vmul.f32 v20, v12  }
0xae: {  	v24 =	vld [tilespmem:s24+$0x12780]  }
0xaf: {  	v20 =	vld [tilespmem:s0+$0x18790];
	v18 =	vadd.f32 v19, v18;
	v19 =	vmul.f32 v21, v11  }
0xb0: {  	v21 =	vld [tilespmem:s24+$0x12790]  }
0xb1: {  	v18 =	vadd.f32 v19, v18;
	v19 =	vmul.f32 v22, v10;
	v22 =	vld [tilespmem:s0+$0x187A0]  }
0xb2: {  	v25 =	vld [tilespmem:s24+$0x127A0]  }
0xb3: {  	v18 =	vadd.f32 v19, v18;
	v19 =	vmul.f32 v23, v9;
	v23 =	vld [tilespmem:s0+$0x187B0]  }
0xb4: {  	v26 =	vld [tilespmem:s24+$0x127B0];
	v24 =	vmul.f32 v24, v17  }
0xb5: {  	v27 =	vld [tilespmem:s24+$0x127C0];
	v20 =	vmul.f32 v20, v8;
	v21 =	vmul.f32 v21, v16;
	v18 =	vadd.f32 v19, v18  }
0xb6: {  	v19 =	vld [tilespmem:s0+$0x187C0];
	v22 =	vmul.f32 v22, v7  }
0xb7: {  	v21 =	vadd.f32 v21, v24;
	v24 =	vmul.f32 v25, v15;
	v25 =	vld [tilespmem:s24+$0x127D0];
	v18 =	vadd.f32 v20, v18  }
0xb8: {  	v20 =	vld [tilespmem:s0+$0x187D0];
	v23 =	vmul.f32 v23, v6  }
0xb9: {  	v21 =	vadd.f32 v24, v21;
	v24 =	vmul.f32 v26, v14;
	v26 =	vld [tilespmem:s0+$0x187E0];
	v18 =	vadd.f32 v22, v18  }
0xba: {  	v62 =	vld [tilespmem:s24+$0x127E0];
	v27 =	vmul.f32 v27, v13  }
0xbb: {  	v22 =	vmul.f32 v19, v5;
	v24 =	vadd.f32 v24, v21;
	v21 =	vld [tilespmem:s0+$0x187F0];
	v23 =	vadd.f32 v23, v18  }
0xbc: {  	v19 =	vld [tilespmem:s24+$0x127F0];
	v25 =	vmul.f32 v25, v12  }
0xbd: {  	v18 =	vld [tilespmem:s24+$0x18790];
	v63 =	vmul.f32 v20, v4;
	v24 =	vadd.f32 v27, v24;
	v27 =	vadd.f32 v22, v23  }
0xbe: {  	s12 =	simm.s32 $0x100;
	v22 =	vld [tilespmem:s24+$0x18780];
	v23 =	vmul.f32 v26, v3  }
0xbf: {  	s13 =	simm.s32 $0x600;
	v20 =	vld [tilespmem:s12+$0x12780];
	v24 =	vadd.f32 v25, v24;
	v25 =	vmul.f32 v62, v11;
	v26 =	vadd.f32 v63, v27  }
.LBB2_4:
0xc0: {  	p0 =	sne.s32 s13, $0x7E00;
	v27 =	vld [tilespmem:s12+$0x12790];
	v21 =	vmul.f32 v21, v2  }
0xc1: {  	v24 =	vadd.f32 v25, v24;
	v19 =	vmul.f32 v19, v10;
	v25 =	vld [tilespmem:s24+$0x187A0];
	v23 =	vadd.f32 v23, v26  }
0xc2: {  	v26 =	vld [tilespmem:s12+$0x127A0]  }
0xc3: {  	v19 =	vadd.f32 v19, v24;
	v22 =	vmul.f32 v22, v9;
	v24 =	vld [tilespmem:s24+$0x187B0];
	v21 =	vadd.f32 v21, v23  }
0xc4: {  	v18 =	vmul.f32 v18, v8;
	v23 =	vld [tilespmem:s12+$0x127B0]  }
0xc5: {  	v20 =	vmul.f32 v20, v17;
	v27 =	vmul.f32 v27, v16;
	v19 =	vadd.f32 v22, v19;
	v22 =	vld [tilespmem:s24+$0x187C0];
	[tilespmem:s0+$0x2400] =	vst v21;
	s0 =	smov.u32 s24;
	s24 =	smov.u32 s12  }
0xc6: {  	v21 =	vld [tilespmem:s24+$0x127C0];
	v25 =	vmul.f32 v25, v7  }
0xc7: {  	v20 =	vadd.f32 v27, v20;
	v26 =	vmul.f32 v26, v15;
	v18 =	vadd.f32 v18, v19;
	v27 =	vld [tilespmem:s0+$0x187D0]  }
0xc8: {  	v28 =	vld [tilespmem:s24+$0x127D0];
	v19 =	vmul.f32 v24, v6  }
0xc9: {  	v20 =	vadd.f32 v26, v20;
	v23 =	vmul.f32 v23, v14;
	v18 =	vadd.f32 v25, v18;
	v24 =	vld [tilespmem:s0+$0x187E0]  }
0xca: {  	v25 =	vld [tilespmem:s24+$0x127E0];
	v22 =	vmul.f32 v22, v5  }
.Ltmp1:
0xcb: {  	v20 =	vadd.f32 v23, v20;
	v23 =	vmul.f32 v21, v13;
	v26 =	vadd.f32 v19, v18;
	v21 =	vld [tilespmem:s0+$0x187F0];
	(pc) =	sbr.rel @p0 .LBB2_4-.Ltmp1, $4  }
0xcc: {  	v19 =	vld [tilespmem:s24+$0x127F0];
	v27 =	vmul.f32 v27, v4  }
0xcd: {  	v29 =	vadd.f32 v23, v20;
	v28 =	vmul.f32 v28, v12;
	v18 =	vld [tilespmem:s24+$0x18790];
	v26 =	vadd.f32 v22, v26  }
0xce: {  	s12 =	sshra.s32 s13, $0x2;
	v22 =	vld [tilespmem:s24+$0x18780];
	v23 =	vmul.f32 v24, v3  }
0xcf: {  	s13 =	sadd.s32 $0x200, s13;
	v20 =	vld [tilespmem:s12+$0x12780];
	v24 =	vadd.f32 v28, v29;
	v25 =	vmul.f32 v25, v11;
	v26 =	vadd.f32 v27, v26  }
0xd0: {  	v27 =	vld [tilespmem:s12+$0x12790]  }
0xd1: {  	v28 =	vld [tilespmem:s24+$0x187A0];
	v21 =	vmul.f32 v21, v2;
	v23 =	vadd.f32 v23, v26  }
0xd2: {  	v26 =	vld [tilespmem:s12+$0x127A0]  }
0xd3: {  	v29 =	vld [tilespmem:s24+$0x187B0];
	v24 =	vadd.f32 v25, v24;
	v19 =	vmul.f32 v19, v10;
	v21 =	vadd.f32 v21, v23  }
0xd4: {  	v23 =	vld [tilespmem:s12+$0x127B0];
	v22 =	vmul.f32 v22, v9  }
0xd5: {  	v25 =	vld [tilespmem:s24+$0x187C0];
	v19 =	vadd.f32 v19, v24;
	v20 =	vmul.f32 v20, v17;
	v24 =	vmul.f32 v27, v16;
	[tilespmem:s0+$0x2400] =	vst v21  }
0xd6: {  	v18 =	vmul.f32 v18, v8;
	v21 =	vld [tilespmem:s12+$0x127C0]  }
0xd7: {  	v19 =	vadd.f32 v22, v19;
	v22 =	vmul.f32 v26, v15;
	v20 =	vadd.f32 v24, v20  }
0xd8: {  	v26 =	vld [tilespmem:s12+$0x127D0];
	v24 =	vmul.f32 v28, v7  }
0xd9: {  	v18 =	vadd.f32 v18, v19;
	v19 =	vld [tilespmem:s24+$0x187D0];
	v20 =	vadd.f32 v22, v20;
	v22 =	vmul.f32 v23, v14  }
0xda: {  	v27 =	vld [tilespmem:s12+$0x127E0];
	v23 =	vmul.f32 v29, v6  }
0xdb: {  	v18 =	vadd.f32 v24, v18;
	v24 =	vld [tilespmem:s24+$0x187E0];
	v20 =	vadd.f32 v22, v20;
	v21 =	vmul.f32 v21, v13  }
0xdc: {  	v22 =	vmul.f32 v25, v5;
	v25 =	vld [tilespmem:s12+$0x127F0]  }
0xdd: {  	v18 =	vadd.f32 v23, v18;
	v23 =	vld [tilespmem:s24+$0x187F0];
	v20 =	vadd.f32 v21, v20;
	v21 =	vmul.f32 v26, v12  }
0xde: {  	v19 =	vmul.f32 v19, v4;
	v26 =	vld [tilespmem:s12+$0x18780]  }
0xdf: {  	v18 =	vadd.f32 v22, v18;
	v20 =	vadd.f32 v21, v20;
	v21 =	vmul.f32 v27, v11  }
0xe0: {  	v22 =	vld [tilespmem:s12+$0x18790];
	v24 =	vmul.f32 v24, v3  }
0xe1: {  	v18 =	vadd.f32 v19, v18;
	v19 =	vadd.f32 v21, v20;
	v20 =	vmul.f32 v25, v10  }
0xe2: {  	v21 =	vmul.f32 v23, v2;
	v23 =	vld [tilespmem:s12+$0x187A0]  }
0xe3: {  	v18 =	vadd.f32 v24, v18;
	v19 =	vadd.f32 v20, v19;
	v20 =	vmul.f32 v26, v9  }
0xe4: {  	v24 =	vld [tilespmem:s12+$0x187B0]  }
0xe5: {  	v18 =	vadd.f32 v21, v18;
	v21 =	vmul.f32 v22, v8;
	v19 =	vadd.f32 v20, v19  }
0xe6: {  	v20 =	vld [tilespmem:s12+$0x187C0]  }
0xe7: {  	[tilespmem:s24+$0x2400] =	vst v18;
	v18 =	vmul.f32 v23, v7;
	v19 =	vadd.f32 v21, v19  }
0xe8: {  	v21 =	vld [tilespmem:s12+$0x187D0]  }
0xe9: {  	v22 =	vmul.f32 v24, v6;
	v18 =	vadd.f32 v18, v19  }
0xea: {  	v19 =	vld [tilespmem:s12+$0x187E0]  }
0xeb: {  	v20 =	vmul.f32 v20, v5;
	v18 =	vadd.f32 v22, v18  }
0xec: {  	v22 =	vld [tilespmem:s12+$0x187F0]  }
0xed: {  	v21 =	vmul.f32 v21, v4;
	v18 =	vadd.f32 v20, v18;
	_ =	sdelay $0x1  }
0xee: {  	v19 =	vmul.f32 v19, v3;
	v18 =	vadd.f32 v21, v18;
	_ =	sdelay $0x1  }
0xef: {  	v20 =	vmul.f32 v22, v2;
	v18 =	vadd.f32 v19, v18;
	_ =	sdelay $0x1  }
0xf0: {  	v18 =	vadd.f32 v20, v18;
	_ =	sdelay $0x1  }
0xf1: {  	s13 =	simm.s32 $0x100;
	[tilespmem:s12+$0x2400] =	vst v18  }
0xf2: {  	[tilespmem:s19], [sflag:$0x6] =	stream.indirect.gather [hbm4b:s1+s16], $0x80, s13, s16, $0xb8;
	[tilespmem:$0x1C780] =	vst v63  }
0xf3: {  	s24 =	simm.s32 $0x300  }
0xf4: {  	[tilespmem:s21], [sflag:$0x9] =	stream.indirect.gather [hbm4b:s2+s16], $0x80, s24, s16, $0xb8;
	[tilespmem:$0x1C780] =	vst v63  }
0xf5: {  	_ =	swait.ge [sflag:s20], $0x2000  }
0xf6: {  	[sflag:s20] =	ssyncset.done $0x0  }
0xf7: {  	[sflag:s20] =	ssyncadd.s32 $0xFFFFE000  }
0xf8: {  	_ =	swait.ge [sflag:s22], $0x2000  }
0xf9: {  	[sflag:s22] =	ssyncset.done $0x0  }
0xfa: {  	s0 =	simm.s32 $0x0;
	[sflag:s22] =	ssyncadd.s32 $0xFFFFE000  }
0xfb: {  	v18 =	vld [tilespmem:s0+$0x14780]  }
0xfc: {  	v19 =	vld [tilespmem:s0+$0x14790];
	_ =	sdelay $0x1  }
0xfd: {  	v20 =	vld [tilespmem:s0+$0x147A0];
	_ =	sdelay $0x1  }
0xfe: {  	v21 =	vld [tilespmem:s0+$0x147B0]  }
0xff: {  	v18 =	vmul.f32 v18, v17;
	v19 =	vmul.f32 v19, v16  }
0x100: {  	v22 =	vld [tilespmem:s0+$0x147C0]  }
0x101: {  	v18 =	vadd.f32 v19, v18;
	v19 =	vmul.f32 v20, v15  }
0x102: {  	v20 =	vld [tilespmem:s0+$0x147D0]  }
0x103: {  	v18 =	vadd.f32 v19, v18;
	v19 =	vmul.f32 v21, v14  }
0x104: {  	v21 =	vld [tilespmem:s0+$0x147E0]  }
0x105: {  	v18 =	vadd.f32 v19, v18;
	v19 =	vmul.f32 v22, v13  }
0x106: {  	v22 =	vld [tilespmem:s0+$0x147F0]  }
0x107: {  	s24 =	simm.s32 $0x80;
	v23 =	vld [tilespmem:s0+$0x1A780];
	v18 =	vadd.f32 v19, v18;
	v19 =	vmul.f32 v20, v12  }
0x108: {  	v24 =	vld [tilespmem:s24+$0x14780]  }
0x109: {  	v20 =	vld [tilespmem:s0+$0x1A790];
	v18 =	vadd.f32 v19, v18;
	v19 =	vmul.f32 v21, v11  }
0x10a: {  	v21 =	vld [tilespmem:s24+$0x14790]  }
0x10b: {  	v18 =	vadd.f32 v19, v18;
	v19 =	vmul.f32 v22, v10;
	v22 =	vld [tilespmem:s0+$0x1A7A0]  }
0x10c: {  	v25 =	vld [tilespmem:s24+$0x147A0]  }
0x10d: {  	v18 =	vadd.f32 v19, v18;
	v19 =	vmul.f32 v23, v9;
	v23 =	vld [tilespmem:s0+$0x1A7B0]  }
0x10e: {  	v26 =	vld [tilespmem:s24+$0x147B0];
	v24 =	vmul.f32 v24, v17  }
0x10f: {  	v27 =	vld [tilespmem:s24+$0x147C0];
	v20 =	vmul.f32 v20, v8;
	v21 =	vmul.f32 v21, v16;
	v18 =	vadd.f32 v19, v18  }
0x110: {  	v19 =	vld [tilespmem:s0+$0x1A7C0];
	v22 =	vmul.f32 v22, v7  }
0x111: {  	v21 =	vadd.f32 v21, v24;
	v24 =	vmul.f32 v25, v15;
	v25 =	vld [tilespmem:s24+$0x147D0];
	v18 =	vadd.f32 v20, v18  }
0x112: {  	v20 =	vld [tilespmem:s0+$0x1A7D0];
	v23 =	vmul.f32 v23, v6  }
0x113: {  	v21 =	vadd.f32 v24, v21;
	v24 =	vmul.f32 v26, v14;
	v26 =	vld [tilespmem:s0+$0x1A7E0];
	v18 =	vadd.f32 v22, v18  }
0x114: {  	v62 =	vld [tilespmem:s24+$0x147E0];
	v27 =	vmul.f32 v27, v13  }
0x115: {  	v22 =	vmul.f32 v19, v5;
	v24 =	vadd.f32 v24, v21;
	v21 =	vld [tilespmem:s0+$0x1A7F0];
	v23 =	vadd.f32 v23, v18  }
0x116: {  	v19 =	vld [tilespmem:s24+$0x147F0];
	v25 =	vmul.f32 v25, v12  }
0x117: {  	v18 =	vld [tilespmem:s24+$0x1A790];
	v63 =	vmul.f32 v20, v4;
	v24 =	vadd.f32 v27, v24;
	v27 =	vadd.f32 v22, v23  }
0x118: {  	s12 =	simm.s32 $0x100;
	v22 =	vld [tilespmem:s24+$0x1A780];
	v23 =	vmul.f32 v26, v3  }
0x119: {  	s13 =	simm.s32 $0x600;
	v20 =	vld [tilespmem:s12+$0x14780];
	v24 =	vadd.f32 v25, v24;
	v25 =	vmul.f32 v62, v11;
	v26 =	vadd.f32 v63, v27  }
.LBB2_6:
0x11a: {  	p0 =	sne.s32 s13, $0x7E00;
	v27 =	vld [tilespmem:s12+$0x14790];
	v21 =	vmul.f32 v21, v2  }
0x11b: {  	v24 =	vadd.f32 v25, v24;
	v19 =	vmul.f32 v19, v10;
	v25 =	vld [tilespmem:s24+$0x1A7A0];
	v23 =	vadd.f32 v23, v26  }
0x11c: {  	v26 =	vld [tilespmem:s12+$0x147A0]  }
0x11d: {  	v19 =	vadd.f32 v19, v24;
	v22 =	vmul.f32 v22, v9;
	v24 =	vld [tilespmem:s24+$0x1A7B0];
	v21 =	vadd.f32 v21, v23  }
0x11e: {  	v18 =	vmul.f32 v18, v8;
	v23 =	vld [tilespmem:s12+$0x147B0]  }
0x11f: {  	v20 =	vmul.f32 v20, v17;
	v27 =	vmul.f32 v27, v16;
	v19 =	vadd.f32 v22, v19;
	v22 =	vld [tilespmem:s24+$0x1A7C0];
	[tilespmem:s0+$0x4400] =	vst v21;
	s0 =	smov.u32 s24;
	s24 =	smov.u32 s12  }
0x120: {  	v21 =	vld [tilespmem:s24+$0x147C0];
	v25 =	vmul.f32 v25, v7  }
0x121: {  	v20 =	vadd.f32 v27, v20;
	v26 =	vmul.f32 v26, v15;
	v18 =	vadd.f32 v18, v19;
	v27 =	vld [tilespmem:s0+$0x1A7D0]  }
0x122: {  	v28 =	vld [tilespmem:s24+$0x147D0];
	v19 =	vmul.f32 v24, v6  }
0x123: {  	v20 =	vadd.f32 v26, v20;
	v23 =	vmul.f32 v23, v14;
	v18 =	vadd.f32 v25, v18;
	v24 =	vld [tilespmem:s0+$0x1A7E0]  }
0x124: {  	v25 =	vld [tilespmem:s24+$0x147E0];
	v22 =	vmul.f32 v22, v5  }
.Ltmp2:
0x125: {  	v20 =	vadd.f32 v23, v20;
	v23 =	vmul.f32 v21, v13;
	v26 =	vadd.f32 v19, v18;
	v21 =	vld [tilespmem:s0+$0x1A7F0];
	(pc) =	sbr.rel @p0 .LBB2_6-.Ltmp2, $4  }
0x126: {  	v19 =	vld [tilespmem:s24+$0x147F0];
	v27 =	vmul.f32 v27, v4  }
0x127: {  	v29 =	vadd.f32 v23, v20;
	v28 =	vmul.f32 v28, v12;
	v18 =	vld [tilespmem:s24+$0x1A790];
	v26 =	vadd.f32 v22, v26  }
0x128: {  	s12 =	sshra.s32 s13, $0x2;
	v22 =	vld [tilespmem:s24+$0x1A780];
	v23 =	vmul.f32 v24, v3  }
0x129: {  	s13 =	sadd.s32 $0x200, s13;
	v20 =	vld [tilespmem:s12+$0x14780];
	v24 =	vadd.f32 v28, v29;
	v25 =	vmul.f32 v25, v11;
	v26 =	vadd.f32 v27, v26  }
0x12a: {  	v27 =	vld [tilespmem:s12+$0x14790]  }
0x12b: {  	v28 =	vld [tilespmem:s24+$0x1A7A0];
	v21 =	vmul.f32 v21, v2;
	v23 =	vadd.f32 v23, v26  }
0x12c: {  	v26 =	vld [tilespmem:s12+$0x147A0]  }
0x12d: {  	v29 =	vld [tilespmem:s24+$0x1A7B0];
	v24 =	vadd.f32 v25, v24;
	v19 =	vmul.f32 v19, v10;
	v21 =	vadd.f32 v21, v23  }
0x12e: {  	v23 =	vld [tilespmem:s12+$0x147B0];
	v22 =	vmul.f32 v22, v9  }
0x12f: {  	v25 =	vld [tilespmem:s24+$0x1A7C0];
	v19 =	vadd.f32 v19, v24;
	v20 =	vmul.f32 v20, v17;
	v24 =	vmul.f32 v27, v16;
	[tilespmem:s0+$0x4400] =	vst v21  }
0x130: {  	v18 =	vmul.f32 v18, v8;
	v21 =	vld [tilespmem:s12+$0x147C0]  }
0x131: {  	v19 =	vadd.f32 v22, v19;
	v22 =	vmul.f32 v26, v15;
	v20 =	vadd.f32 v24, v20  }
0x132: {  	v26 =	vld [tilespmem:s12+$0x147D0];
	v24 =	vmul.f32 v28, v7  }
0x133: {  	v18 =	vadd.f32 v18, v19;
	v19 =	vld [tilespmem:s24+$0x1A7D0];
	v20 =	vadd.f32 v22, v20;
	v22 =	vmul.f32 v23, v14  }
0x134: {  	v27 =	vld [tilespmem:s12+$0x147E0];
	v23 =	vmul.f32 v29, v6  }
0x135: {  	v18 =	vadd.f32 v24, v18;
	v24 =	vld [tilespmem:s24+$0x1A7E0];
	v20 =	vadd.f32 v22, v20;
	v21 =	vmul.f32 v21, v13  }
0x136: {  	v22 =	vmul.f32 v25, v5;
	v25 =	vld [tilespmem:s12+$0x147F0]  }
0x137: {  	v18 =	vadd.f32 v23, v18;
	v23 =	vld [tilespmem:s24+$0x1A7F0];
	v20 =	vadd.f32 v21, v20;
	v21 =	vmul.f32 v26, v12  }
0x138: {  	v19 =	vmul.f32 v19, v4;
	v26 =	vld [tilespmem:s12+$0x1A780]  }
0x139: {  	v18 =	vadd.f32 v22, v18;
	v20 =	vadd.f32 v21, v20;
	v21 =	vmul.f32 v27, v11  }
0x13a: {  	v22 =	vld [tilespmem:s12+$0x1A790];
	v24 =	vmul.f32 v24, v3  }
0x13b: {  	v18 =	vadd.f32 v19, v18;
	v19 =	vadd.f32 v21, v20;
	v20 =	vmul.f32 v25, v10  }
0x13c: {  	v21 =	vmul.f32 v23, v2;
	v23 =	vld [tilespmem:s12+$0x1A7A0]  }
0x13d: {  	v18 =	vadd.f32 v24, v18;
	v19 =	vadd.f32 v20, v19;
	v20 =	vmul.f32 v26, v9  }
0x13e: {  	v24 =	vld [tilespmem:s12+$0x1A7B0]  }
0x13f: {  	v18 =	vadd.f32 v21, v18;
	v21 =	vmul.f32 v22, v8;
	v19 =	vadd.f32 v20, v19  }
0x140: {  	v20 =	vld [tilespmem:s12+$0x1A7C0]  }
0x141: {  	[tilespmem:s24+$0x4400] =	vst v18;
	v18 =	vmul.f32 v23, v7;
	v19 =	vadd.f32 v21, v19  }
0x142: {  	v21 =	vld [tilespmem:s12+$0x1A7D0]  }
0x143: {  	v22 =	vmul.f32 v24, v6;
	v18 =	vadd.f32 v18, v19  }
0x144: {  	v19 =	vld [tilespmem:s12+$0x1A7E0]  }
0x145: {  	v20 =	vmul.f32 v20, v5;
	v18 =	vadd.f32 v22, v18  }
0x146: {  	v22 =	vld [tilespmem:s12+$0x1A7F0]  }
0x147: {  	v21 =	vmul.f32 v21, v4;
	v18 =	vadd.f32 v20, v18;
	_ =	sdelay $0x1  }
0x148: {  	v19 =	vmul.f32 v19, v3;
	v18 =	vadd.f32 v21, v18;
	_ =	sdelay $0x1  }
0x149: {  	v20 =	vmul.f32 v22, v2;
	v18 =	vadd.f32 v19, v18;
	_ =	sdelay $0x1  }
0x14a: {  	v18 =	vadd.f32 v20, v18;
	_ =	sdelay $0x1  }
0x14b: {  	s13 =	simm.s32 $0x140;
	[tilespmem:s12+$0x4400] =	vst v18  }
0x14c: {  	[tilespmem:s23], [sflag:$0x7] =	stream.indirect.gather [hbm4b:s1+s16], $0x80, s13, s16, $0xb8;
	[tilespmem:$0x1C780] =	vst v63  }
0x14d: {  	s24 =	simm.s32 $0x340  }
0x14e: {  	[tilespmem:s25], [sflag:$0xA] =	stream.indirect.gather [hbm4b:s2+s16], $0x80, s24, s16, $0xb8;
	[tilespmem:$0x1C780] =	vst v63  }
0x14f: {  	_ =	swait.ge [sflag:s29], $0x2000  }
0x150: {  	[sflag:s29] =	ssyncset.done $0x0  }
0x151: {  	[sflag:s29] =	ssyncadd.s32 $0xFFFFE000  }
0x152: {  	_ =	swait.ge [sflag:s30], $0x2000  }
0x153: {  	[sflag:s30] =	ssyncset.done $0x0  }
0x154: {  	s0 =	simm.s32 $0x0;
	[sflag:s30] =	ssyncadd.s32 $0xFFFFE000  }
0x155: {  	v18 =	vld [tilespmem:s0+$0x10780]  }
0x156: {  	v19 =	vld [tilespmem:s0+$0x10790];
	_ =	sdelay $0x1  }
0x157: {  	v20 =	vld [tilespmem:s0+$0x107A0];
	_ =	sdelay $0x1  }
0x158: {  	v21 =	vld [tilespmem:s0+$0x107B0]  }
0x159: {  	v18 =	vmul.f32 v18, v17;
	v19 =	vmul.f32 v19, v16  }
0x15a: {  	v22 =	vld [tilespmem:s0+$0x107C0]  }
0x15b: {  	v18 =	vadd.f32 v19, v18;
	v19 =	vmul.f32 v20, v15  }
0x15c: {  	v20 =	vld [tilespmem:s0+$0x107D0]  }
0x15d: {  	v18 =	vadd.f32 v19, v18;
	v19 =	vmul.f32 v21, v14  }
0x15e: {  	v21 =	vld [tilespmem:s0+$0x107E0]  }
0x15f: {  	v18 =	vadd.f32 v19, v18;
	v19 =	vmul.f32 v22, v13  }
0x160: {  	v22 =	vld [tilespmem:s0+$0x107F0]  }
0x161: {  	s24 =	simm.s32 $0x80;
	v23 =	vld [tilespmem:s0+$0x16780];
	v18 =	vadd.f32 v19, v18;
	v19 =	vmul.f32 v20, v12  }
0x162: {  	v24 =	vld [tilespmem:s24+$0x10780]  }
0x163: {  	v20 =	vld [tilespmem:s0+$0x16790];
	v18 =	vadd.f32 v19, v18;
	v19 =	vmul.f32 v21, v11  }
0x164: {  	v21 =	vld [tilespmem:s24+$0x10790]  }
0x165: {  	v18 =	vadd.f32 v19, v18;
	v19 =	vmul.f32 v22, v10;
	v22 =	vld [tilespmem:s0+$0x167A0]  }
0x166: {  	v25 =	vld [tilespmem:s24+$0x107A0]  }
0x167: {  	v18 =	vadd.f32 v19, v18;
	v19 =	vmul.f32 v23, v9;
	v23 =	vld [tilespmem:s0+$0x167B0]  }
0x168: {  	v26 =	vld [tilespmem:s24+$0x107B0];
	v24 =	vmul.f32 v24, v17  }
0x169: {  	v27 =	vld [tilespmem:s24+$0x107C0];
	v20 =	vmul.f32 v20, v8;
	v21 =	vmul.f32 v21, v16;
	v18 =	vadd.f32 v19, v18  }
0x16a: {  	v19 =	vld [tilespmem:s0+$0x167C0];
	v22 =	vmul.f32 v22, v7  }
0x16b: {  	v21 =	vadd.f32 v21, v24;
	v24 =	vmul.f32 v25, v15;
	v25 =	vld [tilespmem:s24+$0x107D0];
	v18 =	vadd.f32 v20, v18  }
0x16c: {  	v20 =	vld [tilespmem:s0+$0x167D0];
	v23 =	vmul.f32 v23, v6  }
0x16d: {  	v21 =	vadd.f32 v24, v21;
	v24 =	vmul.f32 v26, v14;
	v26 =	vld [tilespmem:s0+$0x167E0];
	v18 =	vadd.f32 v22, v18  }
0x16e: {  	v62 =	vld [tilespmem:s24+$0x107E0];
	v27 =	vmul.f32 v27, v13  }
0x16f: {  	v22 =	vmul.f32 v19, v5;
	v24 =	vadd.f32 v24, v21;
	v21 =	vld [tilespmem:s0+$0x167F0];
	v23 =	vadd.f32 v23, v18  }
0x170: {  	v19 =	vld [tilespmem:s24+$0x107F0];
	v25 =	vmul.f32 v25, v12  }
0x171: {  	v18 =	vld [tilespmem:s24+$0x16790];
	v63 =	vmul.f32 v20, v4;
	v24 =	vadd.f32 v27, v24;
	v27 =	vadd.f32 v22, v23  }
0x172: {  	s12 =	simm.s32 $0x100;
	v22 =	vld [tilespmem:s24+$0x16780];
	v23 =	vmul.f32 v26, v3  }
0x173: {  	s13 =	simm.s32 $0x600;
	v20 =	vld [tilespmem:s12+$0x10780];
	v24 =	vadd.f32 v25, v24;
	v25 =	vmul.f32 v62, v11;
	v26 =	vadd.f32 v63, v27  }
.LBB2_8:
0x174: {  	p0 =	sne.s32 s13, $0x7E00;
	v27 =	vld [tilespmem:s12+$0x10790];
	v21 =	vmul.f32 v21, v2  }
0x175: {  	v24 =	vadd.f32 v25, v24;
	v19 =	vmul.f32 v19, v10;
	v25 =	vld [tilespmem:s24+$0x167A0];
	v23 =	vadd.f32 v23, v26  }
0x176: {  	v26 =	vld [tilespmem:s12+$0x107A0]  }
0x177: {  	v19 =	vadd.f32 v19, v24;
	v22 =	vmul.f32 v22, v9;
	v24 =	vld [tilespmem:s24+$0x167B0];
	v21 =	vadd.f32 v21, v23  }
0x178: {  	v18 =	vmul.f32 v18, v8;
	v23 =	vld [tilespmem:s12+$0x107B0]  }
0x179: {  	v20 =	vmul.f32 v20, v17;
	v27 =	vmul.f32 v27, v16;
	v19 =	vadd.f32 v22, v19;
	v22 =	vld [tilespmem:s24+$0x167C0];
	[tilespmem:s0+$0x6400] =	vst v21;
	s0 =	smov.u32 s24;
	s24 =	smov.u32 s12  }
0x17a: {  	v21 =	vld [tilespmem:s24+$0x107C0];
	v25 =	vmul.f32 v25, v7  }
0x17b: {  	v20 =	vadd.f32 v27, v20;
	v26 =	vmul.f32 v26, v15;
	v18 =	vadd.f32 v18, v19;
	v27 =	vld [tilespmem:s0+$0x167D0]  }
0x17c: {  	v28 =	vld [tilespmem:s24+$0x107D0];
	v19 =	vmul.f32 v24, v6  }
0x17d: {  	v20 =	vadd.f32 v26, v20;
	v23 =	vmul.f32 v23, v14;
	v18 =	vadd.f32 v25, v18;
	v24 =	vld [tilespmem:s0+$0x167E0]  }
0x17e: {  	v25 =	vld [tilespmem:s24+$0x107E0];
	v22 =	vmul.f32 v22, v5  }
.Ltmp3:
0x17f: {  	v20 =	vadd.f32 v23, v20;
	v23 =	vmul.f32 v21, v13;
	v26 =	vadd.f32 v19, v18;
	v21 =	vld [tilespmem:s0+$0x167F0];
	(pc) =	sbr.rel @p0 .LBB2_8-.Ltmp3, $4  }
0x180: {  	v19 =	vld [tilespmem:s24+$0x107F0];
	v27 =	vmul.f32 v27, v4  }
0x181: {  	v29 =	vadd.f32 v23, v20;
	v28 =	vmul.f32 v28, v12;
	v18 =	vld [tilespmem:s24+$0x16790];
	v26 =	vadd.f32 v22, v26  }
0x182: {  	s12 =	sshra.s32 s13, $0x2;
	v22 =	vld [tilespmem:s24+$0x16780];
	v23 =	vmul.f32 v24, v3  }
0x183: {  	s13 =	sadd.s32 $0x200, s13;
	v20 =	vld [tilespmem:s12+$0x10780];
	v24 =	vadd.f32 v28, v29;
	v25 =	vmul.f32 v25, v11;
	v26 =	vadd.f32 v27, v26  }
0x184: {  	v27 =	vld [tilespmem:s12+$0x10790]  }
0x185: {  	v28 =	vld [tilespmem:s24+$0x167A0];
	v21 =	vmul.f32 v21, v2;
	v23 =	vadd.f32 v23, v26  }
0x186: {  	v26 =	vld [tilespmem:s12+$0x107A0]  }
0x187: {  	v29 =	vld [tilespmem:s24+$0x167B0];
	v24 =	vadd.f32 v25, v24;
	v19 =	vmul.f32 v19, v10;
	v21 =	vadd.f32 v21, v23  }
0x188: {  	v23 =	vld [tilespmem:s12+$0x107B0];
	v22 =	vmul.f32 v22, v9  }
0x189: {  	v25 =	vld [tilespmem:s24+$0x167C0];
	v19 =	vadd.f32 v19, v24;
	v20 =	vmul.f32 v20, v17;
	v24 =	vmul.f32 v27, v16;
	[tilespmem:s0+$0x6400] =	vst v21  }
0x18a: {  	v18 =	vmul.f32 v18, v8;
	v21 =	vld [tilespmem:s12+$0x107C0]  }
0x18b: {  	v19 =	vadd.f32 v22, v19;
	v22 =	vmul.f32 v26, v15;
	v20 =	vadd.f32 v24, v20  }
0x18c: {  	v26 =	vld [tilespmem:s12+$0x107D0];
	v24 =	vmul.f32 v28, v7  }
0x18d: {  	v18 =	vadd.f32 v18, v19;
	v19 =	vld [tilespmem:s24+$0x167D0];
	v20 =	vadd.f32 v22, v20;
	v22 =	vmul.f32 v23, v14  }
0x18e: {  	v27 =	vld [tilespmem:s12+$0x107E0];
	v23 =	vmul.f32 v29, v6  }
0x18f: {  	v18 =	vadd.f32 v24, v18;
	v24 =	vld [tilespmem:s24+$0x167E0];
	v20 =	vadd.f32 v22, v20;
	v21 =	vmul.f32 v21, v13  }
0x190: {  	v22 =	vmul.f32 v25, v5;
	v25 =	vld [tilespmem:s12+$0x107F0]  }
0x191: {  	v18 =	vadd.f32 v23, v18;
	v23 =	vld [tilespmem:s24+$0x167F0];
	v20 =	vadd.f32 v21, v20;
	v21 =	vmul.f32 v26, v12  }
0x192: {  	v19 =	vmul.f32 v19, v4;
	v26 =	vld [tilespmem:s12+$0x16780]  }
0x193: {  	v18 =	vadd.f32 v22, v18;
	v20 =	vadd.f32 v21, v20;
	v21 =	vmul.f32 v27, v11  }
0x194: {  	v22 =	vld [tilespmem:s12+$0x16790];
	v24 =	vmul.f32 v24, v3  }
0x195: {  	v18 =	vadd.f32 v19, v18;
	v19 =	vadd.f32 v21, v20;
	v20 =	vmul.f32 v25, v10  }
0x196: {  	v21 =	vmul.f32 v23, v2;
	v23 =	vld [tilespmem:s12+$0x167A0]  }
0x197: {  	v18 =	vadd.f32 v24, v18;
	v19 =	vadd.f32 v20, v19;
	v20 =	vmul.f32 v26, v9  }
0x198: {  	v24 =	vld [tilespmem:s12+$0x167B0]  }
0x199: {  	v18 =	vadd.f32 v21, v18;
	v21 =	vmul.f32 v22, v8;
	v19 =	vadd.f32 v20, v19  }
0x19a: {  	v20 =	vld [tilespmem:s12+$0x167C0]  }
0x19b: {  	[tilespmem:s24+$0x6400] =	vst v18;
	v18 =	vmul.f32 v23, v7;
	v19 =	vadd.f32 v21, v19  }
0x19c: {  	v21 =	vld [tilespmem:s12+$0x167D0]  }
0x19d: {  	v22 =	vmul.f32 v24, v6;
	v18 =	vadd.f32 v18, v19  }
0x19e: {  	v19 =	vld [tilespmem:s12+$0x167E0]  }
0x19f: {  	v20 =	vmul.f32 v20, v5;
	v18 =	vadd.f32 v22, v18  }
0x1a0: {  	v22 =	vld [tilespmem:s12+$0x167F0]  }
0x1a1: {  	v21 =	vmul.f32 v21, v4;
	v18 =	vadd.f32 v20, v18;
	_ =	sdelay $0x1  }
0x1a2: {  	v19 =	vmul.f32 v19, v3;
	v18 =	vadd.f32 v21, v18;
	_ =	sdelay $0x1  }
0x1a3: {  	v20 =	vmul.f32 v22, v2;
	v18 =	vadd.f32 v19, v18;
	_ =	sdelay $0x1  }
0x1a4: {  	v18 =	vadd.f32 v20, v18;
	_ =	sdelay $0x1  }
0x1a5: {  	s23 =	simm.s32 $0x180;
	[tilespmem:s12+$0x6400] =	vst v18  }
0x1a6: {  	[tilespmem:s17], [sflag:$0x5] =	stream.indirect.gather [hbm4b:s1+s16], $0x80, s23, s16, $0xb8;
	[tilespmem:$0x1C780] =	vst v63  }
0x1a7: {  	s24 =	simm.s32 $0x380  }
0x1a8: {  	[tilespmem:s18], [sflag:$0x8] =	stream.indirect.gather [hbm4b:s2+s16], $0x80, s24, s16, $0xb8;
	[tilespmem:$0x1C780] =	vst v63  }
0x1a9: {  	_ =	swait.ge [sflag:s5], $0x2000  }
0x1aa: {  	[sflag:s5] =	ssyncset.done $0x0  }
0x1ab: {  	[sflag:s5] =	ssyncadd.s32 $0xFFFFE000  }
0x1ac: {  	_ =	swait.ge [sflag:s3], $0x2000  }
0x1ad: {  	[sflag:s3] =	ssyncset.done $0x0  }
0x1ae: {  	s0 =	simm.s32 $0x0;
	[sflag:s3] =	ssyncadd.s32 $0xFFFFE000  }
0x1af: {  	v18 =	vld [tilespmem:s0+$0x12780]  }
0x1b0: {  	v19 =	vld [tilespmem:s0+$0x12790];
	_ =	sdelay $0x1  }
0x1b1: {  	v20 =	vld [tilespmem:s0+$0x127A0];
	_ =	sdelay $0x1  }
0x1b2: {  	v21 =	vld [tilespmem:s0+$0x127B0]  }
0x1b3: {  	v18 =	vmul.f32 v18, v17;
	v19 =	vmul.f32 v19, v16  }
0x1b4: {  	v22 =	vld [tilespmem:s0+$0x127C0]  }
0x1b5: {  	v18 =	vadd.f32 v19, v18;
	v19 =	vmul.f32 v20, v15  }
0x1b6: {  	v20 =	vld [tilespmem:s0+$0x127D0]  }
0x1b7: {  	v18 =	vadd.f32 v19, v18;
	v19 =	vmul.f32 v21, v14  }
0x1b8: {  	v21 =	vld [tilespmem:s0+$0x127E0]  }
0x1b9: {  	v18 =	vadd.f32 v19, v18;
	v19 =	vmul.f32 v22, v13  }
0x1ba: {  	v22 =	vld [tilespmem:s0+$0x127F0]  }
0x1bb: {  	s24 =	simm.s32 $0x80;
	v23 =	vld [tilespmem:s0+$0x18780];
	v18 =	vadd.f32 v19, v18;
	v19 =	vmul.f32 v20, v12  }
0x1bc: {  	v24 =	vld [tilespmem:s24+$0x12780]  }
0x1bd: {  	v20 =	vld [tilespmem:s0+$0x18790];
	v18 =	vadd.f32 v19, v18;
	v19 =	vmul.f32 v21, v11  }
0x1be: {  	v21 =	vld [tilespmem:s24+$0x12790]  }
0x1bf: {  	v18 =	vadd.f32 v19, v18;
	v19 =	vmul.f32 v22, v10;
	v22 =	vld [tilespmem:s0+$0x187A0]  }
0x1c0: {  	v25 =	vld [tilespmem:s24+$0x127A0]  }
0x1c1: {  	v18 =	vadd.f32 v19, v18;
	v19 =	vmul.f32 v23, v9;
	v23 =	vld [tilespmem:s0+$0x187B0]  }
0x1c2: {  	v26 =	vld [tilespmem:s24+$0x127B0];
	v24 =	vmul.f32 v24, v17  }
0x1c3: {  	v27 =	vld [tilespmem:s24+$0x127C0];
	v20 =	vmul.f32 v20, v8;
	v21 =	vmul.f32 v21, v16;
	v18 =	vadd.f32 v19, v18  }
0x1c4: {  	v19 =	vld [tilespmem:s0+$0x187C0];
	v22 =	vmul.f32 v22, v7  }
0x1c5: {  	v21 =	vadd.f32 v21, v24;
	v24 =	vmul.f32 v25, v15;
	v25 =	vld [tilespmem:s24+$0x127D0];
	v18 =	vadd.f32 v20, v18  }
0x1c6: {  	v20 =	vld [tilespmem:s0+$0x187D0];
	v23 =	vmul.f32 v23, v6  }
0x1c7: {  	v21 =	vadd.f32 v24, v21;
	v24 =	vmul.f32 v26, v14;
	v26 =	vld [tilespmem:s0+$0x187E0];
	v18 =	vadd.f32 v22, v18  }
0x1c8: {  	v62 =	vld [tilespmem:s24+$0x127E0];
	v27 =	vmul.f32 v27, v13  }
0x1c9: {  	v22 =	vmul.f32 v19, v5;
	v24 =	vadd.f32 v24, v21;
	v21 =	vld [tilespmem:s0+$0x187F0];
	v23 =	vadd.f32 v23, v18  }
0x1ca: {  	v19 =	vld [tilespmem:s24+$0x127F0];
	v25 =	vmul.f32 v25, v12  }
0x1cb: {  	v18 =	vld [tilespmem:s24+$0x18790];
	v63 =	vmul.f32 v20, v4;
	v24 =	vadd.f32 v27, v24;
	v27 =	vadd.f32 v22, v23  }
0x1cc: {  	s12 =	simm.s32 $0x100;
	v22 =	vld [tilespmem:s24+$0x18780];
	v23 =	vmul.f32 v26, v3  }
0x1cd: {  	s13 =	simm.s32 $0x600;
	v20 =	vld [tilespmem:s12+$0x12780];
	v24 =	vadd.f32 v25, v24;
	v25 =	vmul.f32 v62, v11;
	v26 =	vadd.f32 v63, v27  }
.LBB2_10:
0x1ce: {  	p0 =	sne.s32 s13, $0x7E00;
	v27 =	vld [tilespmem:s12+$0x12790];
	v21 =	vmul.f32 v21, v2  }
0x1cf: {  	v24 =	vadd.f32 v25, v24;
	v19 =	vmul.f32 v19, v10;
	v25 =	vld [tilespmem:s24+$0x187A0];
	v23 =	vadd.f32 v23, v26  }
0x1d0: {  	v26 =	vld [tilespmem:s12+$0x127A0]  }
0x1d1: {  	v19 =	vadd.f32 v19, v24;
	v22 =	vmul.f32 v22, v9;
	v24 =	vld [tilespmem:s24+$0x187B0];
	v21 =	vadd.f32 v21, v23  }
0x1d2: {  	v18 =	vmul.f32 v18, v8;
	v23 =	vld [tilespmem:s12+$0x127B0]  }
0x1d3: {  	v20 =	vmul.f32 v20, v17;
	v27 =	vmul.f32 v27, v16;
	v19 =	vadd.f32 v22, v19;
	v22 =	vld [tilespmem:s24+$0x187C0];
	[tilespmem:s0+$0x8400] =	vst v21;
	s0 =	smov.u32 s24;
	s24 =	smov.u32 s12  }
0x1d4: {  	v21 =	vld [tilespmem:s24+$0x127C0];
	v25 =	vmul.f32 v25, v7  }
0x1d5: {  	v20 =	vadd.f32 v27, v20;
	v26 =	vmul.f32 v26, v15;
	v18 =	vadd.f32 v18, v19;
	v27 =	vld [tilespmem:s0+$0x187D0]  }
0x1d6: {  	v28 =	vld [tilespmem:s24+$0x127D0];
	v19 =	vmul.f32 v24, v6  }
0x1d7: {  	v20 =	vadd.f32 v26, v20;
	v23 =	vmul.f32 v23, v14;
	v18 =	vadd.f32 v25, v18;
	v24 =	vld [tilespmem:s0+$0x187E0]  }
0x1d8: {  	v25 =	vld [tilespmem:s24+$0x127E0];
	v22 =	vmul.f32 v22, v5  }
.Ltmp4:
0x1d9: {  	v20 =	vadd.f32 v23, v20;
	v23 =	vmul.f32 v21, v13;
	v26 =	vadd.f32 v19, v18;
	v21 =	vld [tilespmem:s0+$0x187F0];
	(pc) =	sbr.rel @p0 .LBB2_10-.Ltmp4, $4  }
0x1da: {  	v19 =	vld [tilespmem:s24+$0x127F0];
	v27 =	vmul.f32 v27, v4  }
0x1db: {  	v29 =	vadd.f32 v23, v20;
	v28 =	vmul.f32 v28, v12;
	v18 =	vld [tilespmem:s24+$0x18790];
	v26 =	vadd.f32 v22, v26  }
0x1dc: {  	s12 =	sshra.s32 s13, $0x2;
	v22 =	vld [tilespmem:s24+$0x18780];
	v23 =	vmul.f32 v24, v3  }
0x1dd: {  	s13 =	sadd.s32 $0x200, s13;
	v20 =	vld [tilespmem:s12+$0x12780];
	v24 =	vadd.f32 v28, v29;
	v25 =	vmul.f32 v25, v11;
	v26 =	vadd.f32 v27, v26  }
0x1de: {  	v27 =	vld [tilespmem:s12+$0x12790]  }
0x1df: {  	v28 =	vld [tilespmem:s24+$0x187A0];
	v21 =	vmul.f32 v21, v2;
	v23 =	vadd.f32 v23, v26  }
0x1e0: {  	v26 =	vld [tilespmem:s12+$0x127A0]  }
0x1e1: {  	v29 =	vld [tilespmem:s24+$0x187B0];
	v24 =	vadd.f32 v25, v24;
	v19 =	vmul.f32 v19, v10;
	v21 =	vadd.f32 v21, v23  }
0x1e2: {  	v23 =	vld [tilespmem:s12+$0x127B0];
	v22 =	vmul.f32 v22, v9  }
0x1e3: {  	v25 =	vld [tilespmem:s24+$0x187C0];
	v19 =	vadd.f32 v19, v24;
	v20 =	vmul.f32 v20, v17;
	v24 =	vmul.f32 v27, v16;
	[tilespmem:s0+$0x8400] =	vst v21  }
0x1e4: {  	v18 =	vmul.f32 v18, v8;
	v21 =	vld [tilespmem:s12+$0x127C0]  }
0x1e5: {  	v19 =	vadd.f32 v22, v19;
	v22 =	vmul.f32 v26, v15;
	v20 =	vadd.f32 v24, v20  }
0x1e6: {  	v26 =	vld [tilespmem:s12+$0x127D0];
	v24 =	vmul.f32 v28, v7  }
0x1e7: {  	v18 =	vadd.f32 v18, v19;
	v19 =	vld [tilespmem:s24+$0x187D0];
	v20 =	vadd.f32 v22, v20;
	v22 =	vmul.f32 v23, v14  }
0x1e8: {  	v27 =	vld [tilespmem:s12+$0x127E0];
	v23 =	vmul.f32 v29, v6  }
0x1e9: {  	v18 =	vadd.f32 v24, v18;
	v24 =	vld [tilespmem:s24+$0x187E0];
	v20 =	vadd.f32 v22, v20;
	v21 =	vmul.f32 v21, v13  }
0x1ea: {  	v22 =	vmul.f32 v25, v5;
	v25 =	vld [tilespmem:s12+$0x127F0]  }
0x1eb: {  	v18 =	vadd.f32 v23, v18;
	v23 =	vld [tilespmem:s24+$0x187F0];
	v20 =	vadd.f32 v21, v20;
	v21 =	vmul.f32 v26, v12  }
0x1ec: {  	v19 =	vmul.f32 v19, v4;
	v26 =	vld [tilespmem:s12+$0x18780]  }
0x1ed: {  	v18 =	vadd.f32 v22, v18;
	v20 =	vadd.f32 v21, v20;
	v21 =	vmul.f32 v27, v11  }
0x1ee: {  	v22 =	vld [tilespmem:s12+$0x18790];
	v24 =	vmul.f32 v24, v3  }
0x1ef: {  	v18 =	vadd.f32 v19, v18;
	v19 =	vadd.f32 v21, v20;
	v20 =	vmul.f32 v25, v10  }
0x1f0: {  	v21 =	vmul.f32 v23, v2;
	v23 =	vld [tilespmem:s12+$0x187A0]  }
0x1f1: {  	v18 =	vadd.f32 v24, v18;
	v19 =	vadd.f32 v20, v19;
	v20 =	vmul.f32 v26, v9  }
0x1f2: {  	v24 =	vld [tilespmem:s12+$0x187B0]  }
0x1f3: {  	v18 =	vadd.f32 v21, v18;
	v21 =	vmul.f32 v22, v8;
	v19 =	vadd.f32 v20, v19  }
0x1f4: {  	v20 =	vld [tilespmem:s12+$0x187C0]  }
0x1f5: {  	[tilespmem:s24+$0x8400] =	vst v18;
	v18 =	vmul.f32 v23, v7;
	v19 =	vadd.f32 v21, v19  }
0x1f6: {  	v21 =	vld [tilespmem:s12+$0x187D0]  }
0x1f7: {  	v22 =	vmul.f32 v24, v6;
	v18 =	vadd.f32 v18, v19  }
0x1f8: {  	v19 =	vld [tilespmem:s12+$0x187E0]  }
0x1f9: {  	v20 =	vmul.f32 v20, v5;
	v18 =	vadd.f32 v22, v18  }
0x1fa: {  	v22 =	vld [tilespmem:s12+$0x187F0]  }
0x1fb: {  	v21 =	vmul.f32 v21, v4;
	v18 =	vadd.f32 v20, v18;
	_ =	sdelay $0x1  }
0x1fc: {  	v19 =	vmul.f32 v19, v3;
	v18 =	vadd.f32 v21, v18;
	_ =	sdelay $0x1  }
0x1fd: {  	v20 =	vmul.f32 v22, v2;
	v18 =	vadd.f32 v19, v18;
	_ =	sdelay $0x1  }
0x1fe: {  	v18 =	vadd.f32 v20, v18;
	_ =	sdelay $0x1  }
0x1ff: {  	s23 =	simm.s32 $0x1C0;
	[tilespmem:s12+$0x8400] =	vst v18  }
0x200: {  	[tilespmem:s19], [sflag:$0x6] =	stream.indirect.gather [hbm4b:s1+s16], $0x80, s23, s16, $0xb8;
	[tilespmem:$0x1C780] =	vst v63  }
0x201: {  	s24 =	simm.s32 $0x3C0  }
0x202: {  	[tilespmem:s21], [sflag:$0x9] =	stream.indirect.gather [hbm4b:s2+s16], $0x80, s24, s16, $0xb8;
	[tilespmem:$0x1C780] =	vst v63  }
0x203: {  	_ =	swait.ge [sflag:s20], $0x2000  }
0x204: {  	[sflag:s20] =	ssyncset.done $0x0  }
0x205: {  	[sflag:s20] =	ssyncadd.s32 $0xFFFFE000  }
0x206: {  	_ =	swait.ge [sflag:s22], $0x2000  }
0x207: {  	[sflag:s22] =	ssyncset.done $0x0  }
0x208: {  	s0 =	simm.s32 $0x0;
	[sflag:s22] =	ssyncadd.s32 $0xFFFFE000  }
0x209: {  	v18 =	vld [tilespmem:s0+$0x14780]  }
0x20a: {  	v19 =	vld [tilespmem:s0+$0x14790];
	_ =	sdelay $0x1  }
0x20b: {  	v20 =	vld [tilespmem:s0+$0x147A0];
	_ =	sdelay $0x1  }
0x20c: {  	v21 =	vld [tilespmem:s0+$0x147B0]  }
0x20d: {  	v18 =	vmul.f32 v18, v17;
	v19 =	vmul.f32 v19, v16  }
0x20e: {  	v22 =	vld [tilespmem:s0+$0x147C0]  }
0x20f: {  	v18 =	vadd.f32 v19, v18;
	v19 =	vmul.f32 v20, v15  }
0x210: {  	v20 =	vld [tilespmem:s0+$0x147D0]  }
0x211: {  	v18 =	vadd.f32 v19, v18;
	v19 =	vmul.f32 v21, v14  }
0x212: {  	v21 =	vld [tilespmem:s0+$0x147E0]  }
0x213: {  	v18 =	vadd.f32 v19, v18;
	v19 =	vmul.f32 v22, v13  }
0x214: {  	v22 =	vld [tilespmem:s0+$0x147F0]  }
0x215: {  	s24 =	simm.s32 $0x80;
	v23 =	vld [tilespmem:s0+$0x1A780];
	v18 =	vadd.f32 v19, v18;
	v19 =	vmul.f32 v20, v12  }
0x216: {  	v24 =	vld [tilespmem:s24+$0x14780]  }
0x217: {  	v20 =	vld [tilespmem:s0+$0x1A790];
	v18 =	vadd.f32 v19, v18;
	v19 =	vmul.f32 v21, v11  }
0x218: {  	v21 =	vld [tilespmem:s24+$0x14790]  }
0x219: {  	v18 =	vadd.f32 v19, v18;
	v19 =	vmul.f32 v22, v10;
	v22 =	vld [tilespmem:s0+$0x1A7A0]  }
0x21a: {  	v25 =	vld [tilespmem:s24+$0x147A0]  }
0x21b: {  	v18 =	vadd.f32 v19, v18;
	v19 =	vmul.f32 v23, v9;
	v23 =	vld [tilespmem:s0+$0x1A7B0]  }
0x21c: {  	v26 =	vld [tilespmem:s24+$0x147B0];
	v24 =	vmul.f32 v24, v17  }
0x21d: {  	v27 =	vld [tilespmem:s24+$0x147C0];
	v20 =	vmul.f32 v20, v8;
	v21 =	vmul.f32 v21, v16;
	v18 =	vadd.f32 v19, v18  }
0x21e: {  	v19 =	vld [tilespmem:s0+$0x1A7C0];
	v22 =	vmul.f32 v22, v7  }
0x21f: {  	v21 =	vadd.f32 v21, v24;
	v24 =	vmul.f32 v25, v15;
	v25 =	vld [tilespmem:s24+$0x147D0];
	v18 =	vadd.f32 v20, v18  }
0x220: {  	v20 =	vld [tilespmem:s0+$0x1A7D0];
	v23 =	vmul.f32 v23, v6  }
0x221: {  	v21 =	vadd.f32 v24, v21;
	v24 =	vmul.f32 v26, v14;
	v26 =	vld [tilespmem:s0+$0x1A7E0];
	v18 =	vadd.f32 v22, v18  }
0x222: {  	v62 =	vld [tilespmem:s24+$0x147E0];
	v27 =	vmul.f32 v27, v13  }
0x223: {  	v22 =	vmul.f32 v19, v5;
	v24 =	vadd.f32 v24, v21;
	v21 =	vld [tilespmem:s0+$0x1A7F0];
	v23 =	vadd.f32 v23, v18  }
0x224: {  	v19 =	vld [tilespmem:s24+$0x147F0];
	v25 =	vmul.f32 v25, v12  }
0x225: {  	v18 =	vld [tilespmem:s24+$0x1A790];
	v63 =	vmul.f32 v20, v4;
	v24 =	vadd.f32 v27, v24;
	v27 =	vadd.f32 v22, v23  }
0x226: {  	s12 =	simm.s32 $0x100;
	v22 =	vld [tilespmem:s24+$0x1A780];
	v23 =	vmul.f32 v26, v3  }
0x227: {  	s13 =	simm.s32 $0x600;
	v20 =	vld [tilespmem:s12+$0x14780];
	v24 =	vadd.f32 v25, v24;
	v25 =	vmul.f32 v62, v11;
	v26 =	vadd.f32 v63, v27  }
.LBB2_12:
0x228: {  	p0 =	sne.s32 s13, $0x7E00;
	v27 =	vld [tilespmem:s12+$0x14790];
	v21 =	vmul.f32 v21, v2  }
0x229: {  	v24 =	vadd.f32 v25, v24;
	v19 =	vmul.f32 v19, v10;
	v25 =	vld [tilespmem:s24+$0x1A7A0];
	v23 =	vadd.f32 v23, v26  }
0x22a: {  	v26 =	vld [tilespmem:s12+$0x147A0]  }
0x22b: {  	v19 =	vadd.f32 v19, v24;
	v22 =	vmul.f32 v22, v9;
	v24 =	vld [tilespmem:s24+$0x1A7B0];
	v21 =	vadd.f32 v21, v23  }
0x22c: {  	v18 =	vmul.f32 v18, v8;
	v23 =	vld [tilespmem:s12+$0x147B0]  }
0x22d: {  	v20 =	vmul.f32 v20, v17;
	v27 =	vmul.f32 v27, v16;
	v19 =	vadd.f32 v22, v19;
	v22 =	vld [tilespmem:s24+$0x1A7C0];
	[tilespmem:s0+$0xA400] =	vst v21;
	s0 =	smov.u32 s24;
	s24 =	smov.u32 s12  }
0x22e: {  	v21 =	vld [tilespmem:s24+$0x147C0];
	v25 =	vmul.f32 v25, v7  }
0x22f: {  	v20 =	vadd.f32 v27, v20;
	v26 =	vmul.f32 v26, v15;
	v18 =	vadd.f32 v18, v19;
	v27 =	vld [tilespmem:s0+$0x1A7D0]  }
0x230: {  	v28 =	vld [tilespmem:s24+$0x147D0];
	v19 =	vmul.f32 v24, v6  }
0x231: {  	v20 =	vadd.f32 v26, v20;
	v23 =	vmul.f32 v23, v14;
	v18 =	vadd.f32 v25, v18;
	v24 =	vld [tilespmem:s0+$0x1A7E0]  }
0x232: {  	v25 =	vld [tilespmem:s24+$0x147E0];
	v22 =	vmul.f32 v22, v5  }
.Ltmp5:
0x233: {  	v20 =	vadd.f32 v23, v20;
	v23 =	vmul.f32 v21, v13;
	v26 =	vadd.f32 v19, v18;
	v21 =	vld [tilespmem:s0+$0x1A7F0];
	(pc) =	sbr.rel @p0 .LBB2_12-.Ltmp5, $4  }
0x234: {  	v19 =	vld [tilespmem:s24+$0x147F0];
	v27 =	vmul.f32 v27, v4  }
0x235: {  	v29 =	vadd.f32 v23, v20;
	v28 =	vmul.f32 v28, v12;
	v18 =	vld [tilespmem:s24+$0x1A790];
	v26 =	vadd.f32 v22, v26  }
0x236: {  	s12 =	sshra.s32 s13, $0x2;
	v22 =	vld [tilespmem:s24+$0x1A780];
	v23 =	vmul.f32 v24, v3  }
0x237: {  	s13 =	sadd.s32 $0x200, s13;
	v20 =	vld [tilespmem:s12+$0x14780];
	v24 =	vadd.f32 v28, v29;
	v25 =	vmul.f32 v25, v11;
	v26 =	vadd.f32 v27, v26  }
0x238: {  	v27 =	vld [tilespmem:s12+$0x14790]  }
0x239: {  	v28 =	vld [tilespmem:s24+$0x1A7A0];
	v21 =	vmul.f32 v21, v2;
	v23 =	vadd.f32 v23, v26  }
0x23a: {  	v26 =	vld [tilespmem:s12+$0x147A0]  }
0x23b: {  	v29 =	vld [tilespmem:s24+$0x1A7B0];
	v24 =	vadd.f32 v25, v24;
	v19 =	vmul.f32 v19, v10;
	v21 =	vadd.f32 v21, v23  }
0x23c: {  	v23 =	vld [tilespmem:s12+$0x147B0];
	v22 =	vmul.f32 v22, v9  }
0x23d: {  	v25 =	vld [tilespmem:s24+$0x1A7C0];
	v19 =	vadd.f32 v19, v24;
	v20 =	vmul.f32 v20, v17;
	v24 =	vmul.f32 v27, v16;
	[tilespmem:s0+$0xA400] =	vst v21  }
0x23e: {  	v18 =	vmul.f32 v18, v8;
	v21 =	vld [tilespmem:s12+$0x147C0]  }
0x23f: {  	v19 =	vadd.f32 v22, v19;
	v22 =	vmul.f32 v26, v15;
	v20 =	vadd.f32 v24, v20  }
0x240: {  	v26 =	vld [tilespmem:s12+$0x147D0];
	v24 =	vmul.f32 v28, v7  }
0x241: {  	v18 =	vadd.f32 v18, v19;
	v19 =	vld [tilespmem:s24+$0x1A7D0];
	v20 =	vadd.f32 v22, v20;
	v22 =	vmul.f32 v23, v14  }
0x242: {  	v27 =	vld [tilespmem:s12+$0x147E0];
	v23 =	vmul.f32 v29, v6  }
0x243: {  	v18 =	vadd.f32 v24, v18;
	v24 =	vld [tilespmem:s24+$0x1A7E0];
	v20 =	vadd.f32 v22, v20;
	v21 =	vmul.f32 v21, v13  }
0x244: {  	v22 =	vmul.f32 v25, v5;
	v25 =	vld [tilespmem:s12+$0x147F0]  }
0x245: {  	v18 =	vadd.f32 v23, v18;
	v23 =	vld [tilespmem:s24+$0x1A7F0];
	v20 =	vadd.f32 v21, v20;
	v21 =	vmul.f32 v26, v12  }
0x246: {  	v19 =	vmul.f32 v19, v4;
	v26 =	vld [tilespmem:s12+$0x1A780]  }
0x247: {  	v18 =	vadd.f32 v22, v18;
	v20 =	vadd.f32 v21, v20;
	v21 =	vmul.f32 v27, v11  }
0x248: {  	v22 =	vld [tilespmem:s12+$0x1A790];
	v24 =	vmul.f32 v24, v3  }
0x249: {  	v18 =	vadd.f32 v19, v18;
	v19 =	vadd.f32 v21, v20;
	v20 =	vmul.f32 v25, v10  }
0x24a: {  	v21 =	vmul.f32 v23, v2;
	v23 =	vld [tilespmem:s12+$0x1A7A0]  }
0x24b: {  	v18 =	vadd.f32 v24, v18;
	v19 =	vadd.f32 v20, v19;
	v20 =	vmul.f32 v26, v9  }
0x24c: {  	v24 =	vld [tilespmem:s12+$0x1A7B0]  }
0x24d: {  	v18 =	vadd.f32 v21, v18;
	v21 =	vmul.f32 v22, v8;
	v19 =	vadd.f32 v20, v19  }
0x24e: {  	v20 =	vld [tilespmem:s12+$0x1A7C0]  }
0x24f: {  	[tilespmem:s24+$0xA400] =	vst v18;
	v18 =	vmul.f32 v23, v7;
	v19 =	vadd.f32 v21, v19  }
0x250: {  	v21 =	vld [tilespmem:s12+$0x1A7D0]  }
0x251: {  	v22 =	vmul.f32 v24, v6;
	v18 =	vadd.f32 v18, v19  }
0x252: {  	v19 =	vld [tilespmem:s12+$0x1A7E0]  }
0x253: {  	v20 =	vmul.f32 v20, v5;
	v18 =	vadd.f32 v22, v18  }
0x254: {  	v22 =	vld [tilespmem:s12+$0x1A7F0]  }
0x255: {  	v21 =	vmul.f32 v21, v4;
	v18 =	vadd.f32 v20, v18;
	_ =	sdelay $0x1  }
0x256: {  	v19 =	vmul.f32 v19, v3;
	v18 =	vadd.f32 v21, v18;
	_ =	sdelay $0x1  }
0x257: {  	v20 =	vmul.f32 v22, v2;
	v18 =	vadd.f32 v19, v18;
	_ =	sdelay $0x1  }
0x258: {  	v18 =	vadd.f32 v20, v18;
	_ =	sdelay $0x1  }
0x259: {  	[tilespmem:s12+$0xA400] =	vst v18  }
0x25a: {  	_ =	swait.ge [sflag:s29], $0x2000  }
0x25b: {  	[sflag:s29] =	ssyncset.done $0x0  }
0x25c: {  	[sflag:s29] =	ssyncadd.s32 $0xFFFFE000  }
0x25d: {  	_ =	swait.ge [sflag:s30], $0x2000  }
0x25e: {  	[sflag:s30] =	ssyncset.done $0x0  }
0x25f: {  	s0 =	simm.s32 $0x0;
	[sflag:s30] =	ssyncadd.s32 $0xFFFFE000  }
0x260: {  	v18 =	vld [tilespmem:s0+$0x10780]  }
0x261: {  	v19 =	vld [tilespmem:s0+$0x10790];
	_ =	sdelay $0x1  }
0x262: {  	v20 =	vld [tilespmem:s0+$0x107A0];
	_ =	sdelay $0x1  }
0x263: {  	v21 =	vld [tilespmem:s0+$0x107B0]  }
0x264: {  	v18 =	vmul.f32 v18, v17;
	v19 =	vmul.f32 v19, v16  }
0x265: {  	v22 =	vld [tilespmem:s0+$0x107C0]  }
0x266: {  	v18 =	vadd.f32 v19, v18;
	v19 =	vmul.f32 v20, v15  }
0x267: {  	v20 =	vld [tilespmem:s0+$0x107D0]  }
0x268: {  	v18 =	vadd.f32 v19, v18;
	v19 =	vmul.f32 v21, v14  }
0x269: {  	v21 =	vld [tilespmem:s0+$0x107E0]  }
0x26a: {  	v18 =	vadd.f32 v19, v18;
	v19 =	vmul.f32 v22, v13  }
0x26b: {  	v22 =	vld [tilespmem:s0+$0x107F0]  }
0x26c: {  	s24 =	simm.s32 $0x80;
	v23 =	vld [tilespmem:s0+$0x16780];
	v18 =	vadd.f32 v19, v18;
	v19 =	vmul.f32 v20, v12  }
0x26d: {  	v24 =	vld [tilespmem:s24+$0x10780]  }
0x26e: {  	v20 =	vld [tilespmem:s0+$0x16790];
	v18 =	vadd.f32 v19, v18;
	v19 =	vmul.f32 v21, v11  }
0x26f: {  	v21 =	vld [tilespmem:s24+$0x10790]  }
0x270: {  	v18 =	vadd.f32 v19, v18;
	v19 =	vmul.f32 v22, v10;
	v22 =	vld [tilespmem:s0+$0x167A0]  }
0x271: {  	v25 =	vld [tilespmem:s24+$0x107A0]  }
0x272: {  	v18 =	vadd.f32 v19, v18;
	v19 =	vmul.f32 v23, v9;
	v23 =	vld [tilespmem:s0+$0x167B0]  }
0x273: {  	v26 =	vld [tilespmem:s24+$0x107B0];
	v24 =	vmul.f32 v24, v17  }
0x274: {  	v27 =	vld [tilespmem:s24+$0x107C0];
	v20 =	vmul.f32 v20, v8;
	v21 =	vmul.f32 v21, v16;
	v18 =	vadd.f32 v19, v18  }
0x275: {  	v19 =	vld [tilespmem:s0+$0x167C0];
	v22 =	vmul.f32 v22, v7  }
0x276: {  	v21 =	vadd.f32 v21, v24;
	v24 =	vmul.f32 v25, v15;
	v25 =	vld [tilespmem:s24+$0x107D0];
	v18 =	vadd.f32 v20, v18  }
0x277: {  	v20 =	vld [tilespmem:s0+$0x167D0];
	v23 =	vmul.f32 v23, v6  }
0x278: {  	v21 =	vadd.f32 v24, v21;
	v24 =	vmul.f32 v26, v14;
	v26 =	vld [tilespmem:s0+$0x167E0];
	v18 =	vadd.f32 v22, v18  }
0x279: {  	v62 =	vld [tilespmem:s24+$0x107E0];
	v27 =	vmul.f32 v27, v13  }
0x27a: {  	v22 =	vmul.f32 v19, v5;
	v24 =	vadd.f32 v24, v21;
	v21 =	vld [tilespmem:s0+$0x167F0];
	v23 =	vadd.f32 v23, v18  }
0x27b: {  	v19 =	vld [tilespmem:s24+$0x107F0];
	v25 =	vmul.f32 v25, v12  }
0x27c: {  	v18 =	vld [tilespmem:s24+$0x16790];
	v63 =	vmul.f32 v20, v4;
	v24 =	vadd.f32 v27, v24;
	v27 =	vadd.f32 v22, v23  }
0x27d: {  	s12 =	simm.s32 $0x100;
	v22 =	vld [tilespmem:s24+$0x16780];
	v23 =	vmul.f32 v26, v3  }
0x27e: {  	s13 =	simm.s32 $0x600;
	v20 =	vld [tilespmem:s12+$0x10780];
	v24 =	vadd.f32 v25, v24;
	v25 =	vmul.f32 v62, v11;
	v26 =	vadd.f32 v63, v27  }
.LBB2_14:
0x27f: {  	p0 =	sne.s32 s13, $0x7E00;
	v27 =	vld [tilespmem:s12+$0x10790];
	v21 =	vmul.f32 v21, v2  }
0x280: {  	v24 =	vadd.f32 v25, v24;
	v19 =	vmul.f32 v19, v10;
	v25 =	vld [tilespmem:s24+$0x167A0];
	v23 =	vadd.f32 v23, v26  }
0x281: {  	v26 =	vld [tilespmem:s12+$0x107A0]  }
0x282: {  	v19 =	vadd.f32 v19, v24;
	v22 =	vmul.f32 v22, v9;
	v24 =	vld [tilespmem:s24+$0x167B0];
	v21 =	vadd.f32 v21, v23  }
0x283: {  	v18 =	vmul.f32 v18, v8;
	v23 =	vld [tilespmem:s12+$0x107B0]  }
0x284: {  	v20 =	vmul.f32 v20, v17;
	v27 =	vmul.f32 v27, v16;
	v19 =	vadd.f32 v22, v19;
	v22 =	vld [tilespmem:s24+$0x167C0];
	[tilespmem:s0+$0xC400] =	vst v21;
	s0 =	smov.u32 s24;
	s24 =	smov.u32 s12  }
0x285: {  	v21 =	vld [tilespmem:s24+$0x107C0];
	v25 =	vmul.f32 v25, v7  }
0x286: {  	v20 =	vadd.f32 v27, v20;
	v26 =	vmul.f32 v26, v15;
	v18 =	vadd.f32 v18, v19;
	v27 =	vld [tilespmem:s0+$0x167D0]  }
0x287: {  	v28 =	vld [tilespmem:s24+$0x107D0];
	v19 =	vmul.f32 v24, v6  }
0x288: {  	v20 =	vadd.f32 v26, v20;
	v23 =	vmul.f32 v23, v14;
	v18 =	vadd.f32 v25, v18;
	v24 =	vld [tilespmem:s0+$0x167E0]  }
0x289: {  	v25 =	vld [tilespmem:s24+$0x107E0];
	v22 =	vmul.f32 v22, v5  }
.Ltmp6:
0x28a: {  	v20 =	vadd.f32 v23, v20;
	v23 =	vmul.f32 v21, v13;
	v26 =	vadd.f32 v19, v18;
	v21 =	vld [tilespmem:s0+$0x167F0];
	(pc) =	sbr.rel @p0 .LBB2_14-.Ltmp6, $4  }
0x28b: {  	v19 =	vld [tilespmem:s24+$0x107F0];
	v27 =	vmul.f32 v27, v4  }
0x28c: {  	v29 =	vadd.f32 v23, v20;
	v28 =	vmul.f32 v28, v12;
	v18 =	vld [tilespmem:s24+$0x16790];
	v26 =	vadd.f32 v22, v26  }
0x28d: {  	s12 =	sshra.s32 s13, $0x2;
	v22 =	vld [tilespmem:s24+$0x16780];
	v23 =	vmul.f32 v24, v3  }
0x28e: {  	s13 =	sadd.s32 $0x200, s13;
	v20 =	vld [tilespmem:s12+$0x10780];
	v24 =	vadd.f32 v28, v29;
	v25 =	vmul.f32 v25, v11;
	v26 =	vadd.f32 v27, v26  }
0x28f: {  	v27 =	vld [tilespmem:s12+$0x10790]  }
0x290: {  	v28 =	vld [tilespmem:s24+$0x167A0];
	v21 =	vmul.f32 v21, v2;
	v23 =	vadd.f32 v23, v26  }
0x291: {  	v26 =	vld [tilespmem:s12+$0x107A0]  }
0x292: {  	v29 =	vld [tilespmem:s24+$0x167B0];
	v24 =	vadd.f32 v25, v24;
	v19 =	vmul.f32 v19, v10;
	v21 =	vadd.f32 v21, v23  }
0x293: {  	v23 =	vld [tilespmem:s12+$0x107B0];
	v22 =	vmul.f32 v22, v9  }
0x294: {  	v25 =	vld [tilespmem:s24+$0x167C0];
	v19 =	vadd.f32 v19, v24;
	v20 =	vmul.f32 v20, v17;
	v24 =	vmul.f32 v27, v16;
	[tilespmem:s0+$0xC400] =	vst v21  }
0x295: {  	v18 =	vmul.f32 v18, v8;
	v21 =	vld [tilespmem:s12+$0x107C0]  }
0x296: {  	v19 =	vadd.f32 v22, v19;
	v22 =	vmul.f32 v26, v15;
	v20 =	vadd.f32 v24, v20  }
0x297: {  	v26 =	vld [tilespmem:s12+$0x107D0];
	v24 =	vmul.f32 v28, v7  }
0x298: {  	v18 =	vadd.f32 v18, v19;
	v19 =	vld [tilespmem:s24+$0x167D0];
	v20 =	vadd.f32 v22, v20;
	v22 =	vmul.f32 v23, v14  }
0x299: {  	v27 =	vld [tilespmem:s12+$0x107E0];
	v23 =	vmul.f32 v29, v6  }
0x29a: {  	v18 =	vadd.f32 v24, v18;
	v24 =	vld [tilespmem:s24+$0x167E0];
	v20 =	vadd.f32 v22, v20;
	v21 =	vmul.f32 v21, v13  }
0x29b: {  	v22 =	vmul.f32 v25, v5;
	v25 =	vld [tilespmem:s12+$0x107F0]  }
0x29c: {  	v18 =	vadd.f32 v23, v18;
	v23 =	vld [tilespmem:s24+$0x167F0];
	v20 =	vadd.f32 v21, v20;
	v21 =	vmul.f32 v26, v12  }
0x29d: {  	v19 =	vmul.f32 v19, v4;
	v26 =	vld [tilespmem:s12+$0x16780]  }
0x29e: {  	v18 =	vadd.f32 v22, v18;
	v20 =	vadd.f32 v21, v20;
	v21 =	vmul.f32 v27, v11  }
0x29f: {  	v22 =	vld [tilespmem:s12+$0x16790];
	v24 =	vmul.f32 v24, v3  }
0x2a0: {  	v18 =	vadd.f32 v19, v18;
	v19 =	vadd.f32 v21, v20;
	v20 =	vmul.f32 v25, v10  }
0x2a1: {  	v21 =	vmul.f32 v23, v2;
	v23 =	vld [tilespmem:s12+$0x167A0]  }
0x2a2: {  	v18 =	vadd.f32 v24, v18;
	v19 =	vadd.f32 v20, v19;
	v20 =	vmul.f32 v26, v9  }
0x2a3: {  	v24 =	vld [tilespmem:s12+$0x167B0]  }
0x2a4: {  	v18 =	vadd.f32 v21, v18;
	v21 =	vmul.f32 v22, v8;
	v19 =	vadd.f32 v20, v19  }
0x2a5: {  	v20 =	vld [tilespmem:s12+$0x167C0]  }
0x2a6: {  	[tilespmem:s24+$0xC400] =	vst v18;
	v18 =	vmul.f32 v23, v7;
	v19 =	vadd.f32 v21, v19  }
0x2a7: {  	v21 =	vld [tilespmem:s12+$0x167D0]  }
0x2a8: {  	v22 =	vmul.f32 v24, v6;
	v18 =	vadd.f32 v18, v19  }
0x2a9: {  	v19 =	vld [tilespmem:s12+$0x167E0]  }
0x2aa: {  	v20 =	vmul.f32 v20, v5;
	v18 =	vadd.f32 v22, v18  }
0x2ab: {  	v22 =	vld [tilespmem:s12+$0x167F0]  }
0x2ac: {  	v21 =	vmul.f32 v21, v4;
	v18 =	vadd.f32 v20, v18;
	_ =	sdelay $0x1  }
0x2ad: {  	v19 =	vmul.f32 v19, v3;
	v18 =	vadd.f32 v21, v18;
	_ =	sdelay $0x1  }
0x2ae: {  	v20 =	vmul.f32 v22, v2;
	v18 =	vadd.f32 v19, v18;
	_ =	sdelay $0x1  }
0x2af: {  	v18 =	vadd.f32 v20, v18;
	_ =	sdelay $0x1  }
0x2b0: {  	[tilespmem:s12+$0xC400] =	vst v18  }
0x2b1: {  	_ =	swait.ge [sflag:s5], $0x2000  }
0x2b2: {  	[sflag:s5] =	ssyncset.done $0x0  }
0x2b3: {  	[sflag:s5] =	ssyncadd.s32 $0xFFFFE000  }
0x2b4: {  	_ =	swait.ge [sflag:s3], $0x2000  }
0x2b5: {  	[sflag:s3] =	ssyncset.done $0x0  }
0x2b6: {  	s0 =	simm.s32 $0x0;
	[sflag:s3] =	ssyncadd.s32 $0xFFFFE000  }
0x2b7: {  	v18 =	vld [tilespmem:s0+$0x12780]  }
0x2b8: {  	v19 =	vld [tilespmem:s0+$0x12790];
	_ =	sdelay $0x1  }
0x2b9: {  	v20 =	vld [tilespmem:s0+$0x127A0];
	_ =	sdelay $0x1  }
0x2ba: {  	v21 =	vld [tilespmem:s0+$0x127B0]  }
0x2bb: {  	v18 =	vmul.f32 v18, v17;
	v19 =	vmul.f32 v19, v16  }
0x2bc: {  	v22 =	vld [tilespmem:s0+$0x127C0]  }
0x2bd: {  	v18 =	vadd.f32 v19, v18;
	v19 =	vmul.f32 v20, v15  }
0x2be: {  	v20 =	vld [tilespmem:s0+$0x127D0]  }
0x2bf: {  	v18 =	vadd.f32 v19, v18;
	v19 =	vmul.f32 v21, v14  }
0x2c0: {  	v21 =	vld [tilespmem:s0+$0x127E0]  }
0x2c1: {  	v18 =	vadd.f32 v19, v18;
	v19 =	vmul.f32 v22, v13  }
0x2c2: {  	v22 =	vld [tilespmem:s0+$0x127F0]  }
0x2c3: {  	s24 =	simm.s32 $0x80;
	v23 =	vld [tilespmem:s0+$0x18780];
	v18 =	vadd.f32 v19, v18;
	v19 =	vmul.f32 v20, v12  }
0x2c4: {  	v24 =	vld [tilespmem:s24+$0x12780]  }
0x2c5: {  	v20 =	vld [tilespmem:s0+$0x18790];
	v18 =	vadd.f32 v19, v18;
	v19 =	vmul.f32 v21, v11  }
0x2c6: {  	v21 =	vld [tilespmem:s24+$0x12790]  }
0x2c7: {  	v18 =	vadd.f32 v19, v18;
	v19 =	vmul.f32 v22, v10;
	v22 =	vld [tilespmem:s0+$0x187A0]  }
0x2c8: {  	v25 =	vld [tilespmem:s24+$0x127A0]  }
0x2c9: {  	v18 =	vadd.f32 v19, v18;
	v19 =	vmul.f32 v23, v9;
	v23 =	vld [tilespmem:s0+$0x187B0]  }
0x2ca: {  	v26 =	vld [tilespmem:s24+$0x127B0];
	v24 =	vmul.f32 v24, v17  }
0x2cb: {  	v27 =	vld [tilespmem:s24+$0x127C0];
	v20 =	vmul.f32 v20, v8;
	v21 =	vmul.f32 v21, v16;
	v18 =	vadd.f32 v19, v18  }
0x2cc: {  	v19 =	vld [tilespmem:s0+$0x187C0];
	v22 =	vmul.f32 v22, v7  }
0x2cd: {  	v21 =	vadd.f32 v21, v24;
	v24 =	vmul.f32 v25, v15;
	v25 =	vld [tilespmem:s24+$0x127D0];
	v18 =	vadd.f32 v20, v18  }
0x2ce: {  	v20 =	vld [tilespmem:s0+$0x187D0];
	v23 =	vmul.f32 v23, v6  }
0x2cf: {  	v21 =	vadd.f32 v24, v21;
	v24 =	vmul.f32 v26, v14;
	v18 =	vadd.f32 v22, v18;
	v22 =	vld [tilespmem:s0+$0x187E0]  }
0x2d0: {  	v27 =	vmul.f32 v27, v13;
	v26 =	vld [tilespmem:s24+$0x127E0]  }
0x2d1: {  	v62 =	vmul.f32 v19, v5;
	v24 =	vadd.f32 v24, v21;
	v21 =	vld [tilespmem:s0+$0x187F0];
	v23 =	vadd.f32 v23, v18  }
0x2d2: {  	v19 =	vld [tilespmem:s24+$0x127F0];
	v25 =	vmul.f32 v25, v12  }
0x2d3: {  	v18 =	vld [tilespmem:s24+$0x18790];
	v63 =	vmul.f32 v20, v4;
	v24 =	vadd.f32 v27, v24;
	v27 =	vadd.f32 v62, v23  }
0x2d4: {  	s13 =	simm.s32 $0x100;
	v20 =	vld [tilespmem:s24+$0x18780];
	v23 =	vmul.f32 v22, v3  }
0x2d5: {  	s23 =	simm.s32 $0x600;
	s12 =	simm.s32 $0x0;
	v22 =	vld [tilespmem:s13+$0x12780];
	v24 =	vadd.f32 v25, v24;
	v25 =	vmul.f32 v26, v11;
	v26 =	vadd.f32 v63, v27  }
.LBB2_16:
0x2d6: {  	p0 =	sne.s32 s23, $0x7E00;
	v27 =	vld [tilespmem:s13+$0x12790];
	v21 =	vmul.f32 v21, v2  }
0x2d7: {  	v24 =	vadd.f32 v25, v24;
	v19 =	vmul.f32 v19, v10;
	v25 =	vld [tilespmem:s24+$0x187A0];
	v23 =	vadd.f32 v23, v26  }
0x2d8: {  	v26 =	vld [tilespmem:s13+$0x127A0]  }
0x2d9: {  	v19 =	vadd.f32 v19, v24;
	v20 =	vmul.f32 v20, v9;
	v24 =	vld [tilespmem:s24+$0x187B0];
	v21 =	vadd.f32 v21, v23  }
0x2da: {  	v18 =	vmul.f32 v18, v8;
	v23 =	vld [tilespmem:s13+$0x127B0]  }
0x2db: {  	v22 =	vmul.f32 v22, v17;
	v27 =	vmul.f32 v27, v16;
	v19 =	vadd.f32 v20, v19;
	v20 =	vld [tilespmem:s24+$0x187C0];
	[tilespmem:s0+$0xE400] =	vst v21;
	s0 =	smov.u32 s24;
	s24 =	smov.u32 s13  }
0x2dc: {  	v21 =	vld [tilespmem:s24+$0x127C0];
	v25 =	vmul.f32 v25, v7  }
0x2dd: {  	v22 =	vadd.f32 v27, v22;
	v26 =	vmul.f32 v26, v15;
	v18 =	vadd.f32 v18, v19;
	v27 =	vld [tilespmem:s0+$0x187D0]  }
0x2de: {  	v28 =	vld [tilespmem:s24+$0x127D0];
	v19 =	vmul.f32 v24, v6  }
0x2df: {  	v22 =	vadd.f32 v26, v22;
	v23 =	vmul.f32 v23, v14;
	v18 =	vadd.f32 v25, v18;
	v24 =	vld [tilespmem:s0+$0x187E0]  }
0x2e0: {  	v25 =	vld [tilespmem:s24+$0x127E0];
	v20 =	vmul.f32 v20, v5  }
.Ltmp7:
0x2e1: {  	v22 =	vadd.f32 v23, v22;
	v23 =	vmul.f32 v21, v13;
	v26 =	vadd.f32 v19, v18;
	v21 =	vld [tilespmem:s0+$0x187F0];
	(pc) =	sbr.rel @p0 .LBB2_16-.Ltmp7, $4  }
0x2e2: {  	v19 =	vld [tilespmem:s24+$0x127F0];
	v27 =	vmul.f32 v27, v4  }
0x2e3: {  	v29 =	vadd.f32 v23, v22;
	v28 =	vmul.f32 v28, v12;
	v18 =	vld [tilespmem:s24+$0x18790];
	v26 =	vadd.f32 v20, v26  }
0x2e4: {  	s13 =	sshra.s32 s23, $0x2;
	v20 =	vld [tilespmem:s24+$0x18780];
	v23 =	vmul.f32 v24, v3  }
0x2e5: {  	s23 =	sadd.s32 $0x200, s23;
	v22 =	vld [tilespmem:s13+$0x12780];
	v24 =	vadd.f32 v28, v29;
	v25 =	vmul.f32 v25, v11;
	v26 =	vadd.f32 v27, v26  }
0x2e6: {  	v27 =	vld [tilespmem:s13+$0x12790]  }
0x2e7: {  	v28 =	vld [tilespmem:s24+$0x187A0];
	v21 =	vmul.f32 v21, v2;
	v23 =	vadd.f32 v23, v26  }
0x2e8: {  	v62 =	vld [tilespmem:s13+$0x127A0]  }
0x2e9: {  	v29 =	vld [tilespmem:s24+$0x187B0];
	v24 =	vadd.f32 v25, v24;
	v19 =	vmul.f32 v19, v10;
	v21 =	vadd.f32 v21, v23  }
0x2ea: {  	v63 =	vld [tilespmem:s13+$0x127B0];
	v20 =	vmul.f32 v20, v9  }
0x2eb: {  	v25 =	vld [tilespmem:s24+$0x187C0];
	v19 =	vadd.f32 v19, v24;
	v17 =	vmul.f32 v22, v17;
	v16 =	vmul.f32 v27, v16;
	[tilespmem:s0+$0xE400] =	vst v21  }
0x2ec: {  	v18 =	vmul.f32 v18, v8;
	v21 =	vld [tilespmem:s13+$0x127C0]  }
0x2ed: {  	v19 =	vadd.f32 v20, v19;
	v15 =	vmul.f32 v62, v15;
	v16 =	vadd.f32 v16, v17  }
0x2ee: {  	v27 =	vmul.f32 v28, v7;
	v28 =	vld [tilespmem:s13+$0x127D0]  }
0x2ef: {  	v14 =	vmul.f32 v63, v14;
	v30 =	vld [tilespmem:s24+$0x187D0];
	v18 =	vadd.f32 v18, v19;
	v15 =	vadd.f32 v15, v16  }
0x2f0: {  	v31 =	vmul.f32 v29, v6;
	v32 =	vld [tilespmem:s13+$0x127E0]  }
0x2f1: {  	v33 =	vld [tilespmem:s24+$0x187E0];
	v17 =	vadd.f32 v27, v18;
	v14 =	vadd.f32 v14, v15;
	v13 =	vmul.f32 v21, v13  }
0x2f2: {  	v34 =	vmul.f32 v25, v5;
	v35 =	vld [tilespmem:s13+$0x127F0]  }
0x2f3: {  	v36 =	vld [tilespmem:s24+$0x187F0];
	v16 =	vadd.f32 v31, v17;
	v12 =	vmul.f32 v28, v12;
	v13 =	vadd.f32 v13, v14  }
0x2f4: {  	v38 =	vld [tilespmem:s13+$0x18780];
	v37 =	vmul.f32 v30, v4  }
0x2f5: {  	v11 =	vmul.f32 v32, v11;
	v15 =	vadd.f32 v34, v16;
	v12 =	vadd.f32 v12, v13  }
0x2f6: {  	v39 =	vld [tilespmem:s13+$0x18790];
	v40 =	vmul.f32 v33, v3  }
0x2f7: {  	v41 =	vmul.f32 v35, v10;
	v14 =	vadd.f32 v37, v15;
	v11 =	vadd.f32 v11, v12  }
0x2f8: {  	v43 =	vld [tilespmem:s13+$0x187A0];
	v42 =	vmul.f32 v36, v2  }
0x2f9: {  	v44 =	vmul.f32 v38, v9;
	v14 =	vadd.f32 v40, v14;
	v10 =	vadd.f32 v41, v11  }
0x2fa: {  	v45 =	vld [tilespmem:s13+$0x187B0]  }
0x2fb: {  	v46 =	vmul.f32 v39, v8;
	v12 =	vadd.f32 v42, v14;
	v9 =	vadd.f32 v44, v10  }
0x2fc: {  	v47 =	vld [tilespmem:s13+$0x187C0]  }
0x2fd: {  	v7 =	vmul.f32 v43, v7;
	[tilespmem:s24+$0xE400] =	vst v12;
	v8 =	vadd.f32 v46, v9  }
0x2fe: {  	v48 =	vld [tilespmem:s13+$0x187D0]  }
0x2ff: {  	v6 =	vmul.f32 v45, v6;
	v7 =	vadd.f32 v7, v8  }
0x300: {  	v49 =	vld [tilespmem:s13+$0x187E0]  }
0x301: {  	v5 =	vmul.f32 v47, v5;
	v6 =	vadd.f32 v6, v7  }
0x302: {  	v7 =	vld [tilespmem:s13+$0x187F0]  }
0x303: {  	v4 =	vmul.f32 v48, v4;
	v5 =	vadd.f32 v5, v6  }
0x304: {  	v6 =	vmov s12  }
0x305: {  	v3 =	vmul.f32 v49, v3;
	v4 =	vadd.f32 v4, v5;
	v5 =	vshll.u32 v6, $0x7  }
0x306: {  	v5 =	vor.u32 v0, v5  }
0x307: {  	v2 =	vmul.f32 v7, v2;
	v3 =	vadd.f32 v3, v4;
	v4 =	vor.u32 $0x1, v5;
	_ =	sdelay $0x1  }
0x308: {  	v2 =	vadd.f32 v2, v3  }
0x309: {  	v3 =	vor.u32 $0x2, v5  }
0x30a: {  	[tilespmem:s13+$0xE400] =	vst v2  }
0x30b: {  	v2 =	vld.idx.msk [tilespmem:v4+s31+$0x0], $0xffff;
	v4 =	vor.u32 $0x3, v5  }
0x30c: {  	v6 =	vld.idx.msk [tilespmem:v5+s31+$0x0], $0xffff  }
0x30d: {  	v7 =	vor.u32 $0x4, v5  }
0x30e: {  	v3 =	vld.idx.msk [tilespmem:v3+s31+$0x0], $0xffff  }
0x30f: {  	v50 =	vor.u32 $0x5, v5  }
0x310: {  	v4 =	vld.idx.msk [tilespmem:v4+s31+$0x0], $0xffff  }
0x311: {  	v51 =	vor.u32 $0x6, v5;
	v2 =	vadd.f32 v2, v6  }
0x312: {  	v6 =	vld.idx.msk [tilespmem:v7+s31+$0x0], $0xffff  }
0x313: {  	v7 =	vor.u32 $0x7, v5;
	v2 =	vadd.f32 v3, v2  }
0x314: {  	v3 =	vld.idx.msk [tilespmem:v50+s31+$0x0], $0xffff  }
0x315: {  	v52 =	vor.u32 $0x8, v5;
	v2 =	vadd.f32 v4, v2  }
0x316: {  	v4 =	vld.idx.msk [tilespmem:v51+s31+$0x0], $0xffff  }
0x317: {  	v53 =	vor.u32 $0x9, v5;
	v2 =	vadd.f32 v6, v2  }
0x318: {  	v6 =	vld.idx.msk [tilespmem:v7+s31+$0x0], $0xffff  }
0x319: {  	v7 =	vor.u32 $0xA, v5;
	v2 =	vadd.f32 v3, v2  }
0x31a: {  	v3 =	vld.idx.msk [tilespmem:v52+s31+$0x0], $0xffff  }
0x31b: {  	v54 =	vor.u32 $0xB, v5;
	v2 =	vadd.f32 v4, v2  }
0x31c: {  	v4 =	vld.idx.msk [tilespmem:v53+s31+$0x0], $0xffff  }
0x31d: {  	v55 =	vor.u32 $0xC, v5;
	v2 =	vadd.f32 v6, v2  }
0x31e: {  	v6 =	vld.idx.msk [tilespmem:v7+s31+$0x0], $0xffff  }
0x31f: {  	v7 =	vor.u32 $0xD, v5;
	v2 =	vadd.f32 v3, v2  }
0x320: {  	v3 =	vld.idx.msk [tilespmem:v54+s31+$0x0], $0xffff  }
0x321: {  	v56 =	vor.u32 $0xE, v5;
	v2 =	vadd.f32 v4, v2  }
0x322: {  	v4 =	vld.idx.msk [tilespmem:v55+s31+$0x0], $0xffff  }
0x323: {  	v5 =	vor.u32 $0xF, v5;
	v2 =	vadd.f32 v6, v2  }
0x324: {  	v6 =	vld.idx.msk [tilespmem:v7+s31+$0x0], $0xffff  }
0x325: {  	v2 =	vadd.f32 v3, v2  }
0x326: {  	v3 =	vld.idx.msk [tilespmem:v56+s31+$0x0], $0xffff  }
0x327: {  	v2 =	vadd.f32 v4, v2  }
0x328: {  	v4 =	vld.idx.msk [tilespmem:v5+s31+$0x0], $0xffff  }
0x329: {  	s23 =	simm.s32 $0x10;
	v2 =	vadd.f32 v6, v2  }
0x32a: {  	v5 =	vmov s23  }
0x32b: {  	v5 =	vshll.u32 v5, $0x7;
	v2 =	vadd.f32 v3, v2  }
0x32c: {  	v3 =	vor.u32 v0, v5  }
0x32d: {  	v5 =	vor.u32 $0x1, v3;
	v2 =	vadd.f32 v4, v2;
	_ =	sdelay $0x1  }
0x32e: {  	v2 =	vadd.f32 v2, v1  }
0x32f: {  	s0 =	simm.s32 $0x10400;
	v4 =	vor.u32 $0x2, v3  }
0x330: {  	[tilespmem:s0+$0x0] =	vst v2  }
0x331: {  	v2 =	vld.idx.msk [tilespmem:v5+s31+$0x0], $0xffff;
	v5 =	vor.u32 $0x3, v3  }
0x332: {  	v6 =	vld.idx.msk [tilespmem:v3+s31+$0x0], $0xffff  }
0x333: {  	v7 =	vor.u32 $0x4, v3  }
0x334: {  	v4 =	vld.idx.msk [tilespmem:v4+s31+$0x0], $0xffff  }
0x335: {  	v57 =	vor.u32 $0x5, v3  }
0x336: {  	v5 =	vld.idx.msk [tilespmem:v5+s31+$0x0], $0xffff  }
0x337: {  	v58 =	vor.u32 $0x6, v3;
	v2 =	vadd.f32 v2, v6  }
0x338: {  	v6 =	vld.idx.msk [tilespmem:v7+s31+$0x0], $0xffff  }
0x339: {  	v7 =	vor.u32 $0x7, v3;
	v2 =	vadd.f32 v4, v2  }
0x33a: {  	v4 =	vld.idx.msk [tilespmem:v57+s31+$0x0], $0xffff  }
0x33b: {  	v59 =	vor.u32 $0x8, v3;
	v2 =	vadd.f32 v5, v2  }
0x33c: {  	v5 =	vld.idx.msk [tilespmem:v58+s31+$0x0], $0xffff  }
0x33d: {  	v60 =	vor.u32 $0x9, v3;
	v2 =	vadd.f32 v6, v2  }
0x33e: {  	v6 =	vld.idx.msk [tilespmem:v7+s31+$0x0], $0xffff  }
0x33f: {  	v7 =	vor.u32 $0xA, v3;
	v2 =	vadd.f32 v4, v2  }
0x340: {  	v4 =	vld.idx.msk [tilespmem:v59+s31+$0x0], $0xffff  }
0x341: {  	v61 =	vor.u32 $0xB, v3;
	v2 =	vadd.f32 v5, v2  }
0x342: {  	v5 =	vld.idx.msk [tilespmem:v60+s31+$0x0], $0xffff  }
0x343: {  	v62 =	vor.u32 $0xC, v3;
	v2 =	vadd.f32 v6, v2  }
0x344: {  	v6 =	vld.idx.msk [tilespmem:v7+s31+$0x0], $0xffff  }
0x345: {  	v7 =	vor.u32 $0xD, v3;
	v2 =	vadd.f32 v4, v2  }
0x346: {  	v4 =	vld.idx.msk [tilespmem:v61+s31+$0x0], $0xffff  }
0x347: {  	v2 =	vadd.f32 v5, v2  }
0x348: {  	v63 =	vor.u32 $0xE, v3;
	v5 =	vld.idx.msk [tilespmem:v62+s31+$0x0], $0xffff  }
0x349: {  	v2 =	vadd.f32 v6, v2  }
0x34a: {  	v3 =	vor.u32 $0xF, v3;
	v6 =	vld.idx.msk [tilespmem:v7+s31+$0x0], $0xffff  }
0x34b: {  	v2 =	vadd.f32 v4, v2;
	_ =	sdelay $0x1  }
0x34c: {  	v7 =	vld.idx.msk [tilespmem:v63+s31+$0x0], $0xffff;
	v2 =	vadd.f32 v5, v2;
	_ =	sdelay $0x1  }
0x34d: {  	v5 =	vadd.f32 v6, v2;
	v2 =	vld.idx.msk [tilespmem:v3+s31+$0x0], $0xffff  }
0x34e: {  	s24 =	simm.s32 $0x20  }
0x34f: {  	v4 =	vmov s24  }
0x350: {  	s12 =	simm.s32 $0x30;
	v4 =	vshll.u32 v4, $0x7;
	v3 =	vadd.f32 v7, v5  }
.LBB2_18:
0x351: {  	p0 =	sne.s32 s12, $0x1F0;
	v4 =	vor.u32 v0, v4  }
0x352: {  	v5 =	vor.u32 $0x1, v4;
	v2 =	vadd.f32 v2, v3;
	_ =	sdelay $0x1  }
0x353: {  	v2 =	vadd.f32 v2, v1  }
0x354: {  	s0 =	sadd.s32 $0x10, s0;
	v3 =	vor.u32 $0x2, v4  }
0x355: {  	[tilespmem:s0+$0x0] =	vst v2  }
0x356: {  	v2 =	vld.idx.msk [tilespmem:v5+s31+$0x0], $0xffff;
	v5 =	vor.u32 $0x3, v4  }
0x357: {  	v6 =	vld.idx.msk [tilespmem:v4+s31+$0x0], $0xffff  }
0x358: {  	v7 =	vor.u32 $0x4, v4  }
0x359: {  	v3 =	vld.idx.msk [tilespmem:v3+s31+$0x0], $0xffff  }
0x35a: {  	v8 =	vor.u32 $0x5, v4  }
0x35b: {  	v5 =	vld.idx.msk [tilespmem:v5+s31+$0x0], $0xffff  }
0x35c: {  	v9 =	vor.u32 $0x6, v4  }
0x35d: {  	v2 =	vadd.f32 v2, v6;
	v6 =	vld.idx.msk [tilespmem:v7+s31+$0x0], $0xffff  }
0x35e: {  	v7 =	vor.u32 $0x7, v4  }
0x35f: {  	v2 =	vadd.f32 v3, v2;
	v3 =	vld.idx.msk [tilespmem:v8+s31+$0x0], $0xffff  }
0x360: {  	v8 =	vor.u32 $0x8, v4  }
0x361: {  	v2 =	vadd.f32 v5, v2;
	v5 =	vld.idx.msk [tilespmem:v9+s31+$0x0], $0xffff  }
0x362: {  	v9 =	vor.u32 $0x9, v4  }
0x363: {  	v2 =	vadd.f32 v6, v2;
	v6 =	vld.idx.msk [tilespmem:v7+s31+$0x0], $0xffff  }
0x364: {  	v7 =	vor.u32 $0xA, v4  }
0x365: {  	v2 =	vadd.f32 v3, v2;
	v3 =	vld.idx.msk [tilespmem:v8+s31+$0x0], $0xffff  }
0x366: {  	v8 =	vor.u32 $0xB, v4  }
0x367: {  	v2 =	vadd.f32 v5, v2;
	v5 =	vld.idx.msk [tilespmem:v9+s31+$0x0], $0xffff  }
0x368: {  	v9 =	vor.u32 $0xC, v4  }
0x369: {  	v2 =	vadd.f32 v6, v2;
	v6 =	vld.idx.msk [tilespmem:v7+s31+$0x0], $0xffff  }
0x36a: {  	v7 =	vor.u32 $0xD, v4  }
0x36b: {  	v2 =	vadd.f32 v3, v2;
	v3 =	vld.idx.msk [tilespmem:v8+s31+$0x0], $0xffff  }
0x36c: {  	v8 =	vor.u32 $0xE, v4  }
0x36d: {  	v2 =	vadd.f32 v5, v2;
	v5 =	vld.idx.msk [tilespmem:v9+s31+$0x0], $0xffff  }
0x36e: {  	v4 =	vor.u32 $0xF, v4  }
0x36f: {  	v2 =	vadd.f32 v6, v2;
	v6 =	vld.idx.msk [tilespmem:v7+s31+$0x0], $0xffff;
	_ =	sdelay $0x1  }
0x370: {  	v2 =	vadd.f32 v3, v2;
	v3 =	vld.idx.msk [tilespmem:v8+s31+$0x0], $0xffff;
	_ =	sdelay $0x1  }
.Ltmp8:
0x371: {  	v5 =	vadd.f32 v5, v2;
	v2 =	vld.idx.msk [tilespmem:v4+s31+$0x0], $0xffff;
	(pc) =	sbr.rel @p0 .LBB2_18-.Ltmp8, $4  }
0x372: {  	_ = 	snop  }
0x373: {  	v5 =	vadd.f32 v6, v5  }
0x374: {  	v4 =	vmov s12  }
0x375: {  	s12 =	sadd.s32 $0x10, s12;
	v4 =	vshll.u32 v4, $0x7;
	v3 =	vadd.f32 v3, v5  }
0x376: {  	v4 =	vor.u32 v0, v4  }
0x377: {  	v5 =	vor.u32 $0x1, v4;
	v2 =	vadd.f32 v2, v3;
	_ =	sdelay $0x1  }
0x378: {  	v2 =	vadd.f32 v2, v1  }
0x379: {  	s0 =	sadd.s32 $0x10, s0;
	v3 =	vor.u32 $0x2, v4  }
0x37a: {  	[tilespmem:s0+$0x0] =	vst v2  }
0x37b: {  	v48 =	vor.u32 $0x3, v4;
	v2 =	vld.idx.msk [tilespmem:v5+s31+$0x0], $0xffff  }
0x37c: {  	v6 =	vld.idx.msk [tilespmem:v4+s31+$0x0], $0xffff  }
0x37d: {  	v7 =	vor.u32 $0x4, v4  }
0x37e: {  	v3 =	vld.idx.msk [tilespmem:v3+s31+$0x0], $0xffff  }
0x37f: {  	v8 =	vor.u32 $0x5, v4  }
0x380: {  	v5 =	vld.idx.msk [tilespmem:v48+s31+$0x0], $0xffff  }
0x381: {  	v9 =	vor.u32 $0x6, v4;
	v2 =	vadd.f32 v2, v6  }
0x382: {  	v49 =	vld.idx.msk [tilespmem:v7+s31+$0x0], $0xffff  }
0x383: {  	v50 =	vor.u32 $0x7, v4;
	v2 =	vadd.f32 v3, v2  }
0x384: {  	v3 =	vld.idx.msk [tilespmem:v8+s31+$0x0], $0xffff  }
0x385: {  	v51 =	vor.u32 $0x8, v4;
	v2 =	vadd.f32 v5, v2  }
0x386: {  	v52 =	vld.idx.msk [tilespmem:v9+s31+$0x0], $0xffff  }
0x387: {  	v53 =	vor.u32 $0x9, v4;
	v2 =	vadd.f32 v49, v2  }
0x388: {  	v54 =	vld.idx.msk [tilespmem:v50+s31+$0x0], $0xffff  }
0x389: {  	v55 =	vor.u32 $0xA, v4;
	v2 =	vadd.f32 v3, v2  }
0x38a: {  	v3 =	vld.idx.msk [tilespmem:v51+s31+$0x0], $0xffff  }
0x38b: {  	v56 =	vor.u32 $0xB, v4;
	v2 =	vadd.f32 v52, v2  }
0x38c: {  	v57 =	vld.idx.msk [tilespmem:v53+s31+$0x0], $0xffff  }
0x38d: {  	v58 =	vor.u32 $0xC, v4;
	v2 =	vadd.f32 v54, v2  }
0x38e: {  	v59 =	vld.idx.msk [tilespmem:v55+s31+$0x0], $0xffff  }
0x38f: {  	v60 =	vor.u32 $0xD, v4;
	v2 =	vadd.f32 v3, v2  }
0x390: {  	v3 =	vld.idx.msk [tilespmem:v56+s31+$0x0], $0xffff  }
0x391: {  	v61 =	vor.u32 $0xE, v4;
	v2 =	vadd.f32 v57, v2  }
0x392: {  	v62 =	vld.idx.msk [tilespmem:v58+s31+$0x0], $0xffff  }
0x393: {  	v4 =	vor.u32 $0xF, v4;
	v2 =	vadd.f32 v59, v2  }
0x394: {  	v63 =	vld.idx.msk [tilespmem:v60+s31+$0x0], $0xffff  }
0x395: {  	v2 =	vadd.f32 v3, v2  }
0x396: {  	v3 =	vld.idx.msk [tilespmem:v61+s31+$0x0], $0xffff  }
0x397: {  	v2 =	vadd.f32 v62, v2  }
0x398: {  	v4 =	vld.idx.msk [tilespmem:v4+s31+$0x0], $0xffff  }
0x399: {  	v2 =	vadd.f32 v63, v2;
	_ =	sdelay $0x1  }
0x39a: {  	v2 =	vadd.f32 v3, v2;
	_ =	sdelay $0x1  }
0x39b: {  	v2 =	vadd.f32 v4, v2;
	_ =	sdelay $0x1  }
0x39c: {  	s11 =	sadd.s32 $0x1, s11;
	v1 =	vadd.f32 v2, v1  }
0x39d: {  	p0 =	sne.s32 s11, s10;
	s0 =	sadd.s32 $0x10, s0  }
.Ltmp9:
0x39e: {  	s24 =	simm.s32 $0x10400;
	[tilespmem:s0+$0x0] =	vst v1;
	(pc) =	sbr.rel @p0 .LBB2_1-.Ltmp9, $4  }
0x39f: {  	[hbm4b:s9+s6] =	stream.linear.scatter [tilespmem:s24], [sflag:$0xB], $0x200, $0x38;
	[tilespmem:$0x1C780] =	vst v63  }
0x3a0: {  	_ =	swait.ge [sflag:s4], $0x200  }
0x3a1: {  	[sflag:s4] =	ssyncset.done $0x0  }
0x3a2: {  	s23 =	simm.s32 $0x14780;
	[sflag:s4] =	ssyncadd.s32 $0xFFFFFE00  }
0x3a3: {  	_ =	sfence.sel $0x180000  }
0x3a4: {  	[bflag:$0x0] =	sbarrier.arrive $0xFFFF  }
0x3a5: {  	_ =	strace $0x90000047  }
0x3a6: {  	s0 =	stileid.u32;
	[bflag:$0x2] =	sbarrier.arrive $0xFFFF  }
0x3a7: {  	p0 =	sne.s32 s0, $0x0;
	s0 =	rddreg [dreg:$0x7]  }
0x3a8: {  	s0 =	sadd.s32 @!p0 $0x100000, s0  }
0x3a9: {  	[sflag:s0] =	ssyncadd.tile.s32 @!p0 $0x1;
	_ =	shalt  }
.Lfunc_end2:
_tile_overlayer_lowered:
.L_overlay_start_2:
0x3aa: {  	(tag) =	ssettag $0x2  }
0x3ab: {  	s0 =	rddreg [dreg:$0x0];
	s2 =	stileid.u32  }
0x3ac: {  	s1 =	rddreg [dreg:$0x1];
	p0 =	sne.s32 s2, $0x0  }
0x3ad: {  	s3 =	rddreg [dreg:$0x2];
	[bflag:$0x3] =	sbarrier.arrive $0xFFFF;
	s2 =	simm.s32 @!p0 $0x1C0B  }
0x3ae: {  	[timem:s3], [sflag:s2] =	dma.local @!p0 [hbm:s0], s1  }
0x3af: {  	s0 =	simm.s32 @!p0 $0xB  }
0x3b0: {  	_ =	swait.ge @!p0 [sflag:s0], s1  }
0x3b1: {  	s1 =	ssub.s32 @!p0 $0x0, s1;
	[sflag:s0] =	ssyncset.done @!p0 $0x0  }
0x3b2: {  	[sflag:s0] =	ssyncadd.s32 @!p0 s1  }
0x3b3: {  	[bflag:$0x3] =	sbarrier.arrive $0xFFFF  }
0x3b4: {  	_ =	shalt  }

</sc_bundles>
